<compile_context>
chip_gen: v7x
topology: tpu7x:2x2x1
jax: 0.10.2.dev20260603
libtpu: 0.0.44.dev20260713+nightly
codegen_flags: <defaults>
</compile_context>

<pallas_src>
import functools

import jax
import jax.numpy as jnp
from jax import lax
from jax.experimental import pallas as pl
from jax.experimental.pallas import tpu as pltpu
from jax.experimental.pallas import tpu_sc as plsc

_D = 1024
_NC = 2
_NS = 16
_NW = _NC * _NS
_CH = 16
_NB = 7


@jax.jit
def _sc_gather(idx, table):
  nw, nch, ch = idx.shape
  bpw = nch * ch
  nrows = nw * bpw
  ngf = nch // _NB
  rem = nch - ngf * _NB
  mesh = plsc.VectorSubcoreMesh(core_axis_name="c", subcore_axis_name="s")

  @functools.partial(
      pl.kernel,
      out_type=jax.ShapeDtypeStruct((nrows, _D), jnp.float32),
      mesh=mesh,
      scratch_types=[
          pltpu.VMEM((nch, ch), jnp.int32),
      ]
      + [pltpu.VMEM((ch, _D), jnp.float32)] * _NB
      + [pltpu.SemaphoreType.DMA] * (2 * _NB),
  )
  def k(idx_hbm, table_hbm, out_hbm, idx_v, *bufs):
    rows = bufs[:_NB]
    gsem = bufs[_NB:2 * _NB]
    ssem = bufs[2 * _NB:]
    wid = lax.axis_index("s") * _NC + lax.axis_index("c")
    base = wid * bpw
    pltpu.sync_copy(idx_hbm.at[wid], idx_v)

    for b in range(_NB):
      pltpu.async_copy(table_hbm.at[idx_v.at[b]], rows[b], gsem[b])

    def body(g, carry):
      c0 = g * _NB
      for b in range(_NB):
        c = c0 + b
        pltpu.make_async_copy(table_hbm.at[idx_v.at[c]], rows[b], gsem[b]).wait()
        pltpu.async_copy(rows[b], out_hbm.at[pl.ds(base + c * ch, ch)], ssem[b])
      for b in range(_NB):
        c = c0 + b

        @pl.when(c + _NB < nch)
        def _(b=b, c=c):
          pltpu.make_async_copy(
              rows[b], out_hbm.at[pl.ds(base + c * ch, ch)], ssem[b]).wait()
          pltpu.async_copy(table_hbm.at[idx_v.at[c + _NB]], rows[b], gsem[b])

      return carry

    lax.fori_loop(0, ngf, body, 0)

    for r in range(rem):
      c = ngf * _NB + r
      b = c % _NB
      pltpu.make_async_copy(table_hbm.at[idx_v.at[c]], rows[b], gsem[b]).wait()
      pltpu.async_copy(rows[b], out_hbm.at[pl.ds(base + c * ch, ch)], ssem[b])

    for t in range(nch - _NB, nch):
      b = t % _NB
      pltpu.make_async_copy(
          rows[b], out_hbm.at[pl.ds(base + t * ch, ch)], ssem[b]).wait()

  return k(idx, table)


def kernel(position_ids, table):
  idx = position_ids.reshape(_NW, -1, _CH).astype(jnp.int32)
  out = _sc_gather(idx, table)
  return out.reshape(position_ids.shape + (table.shape[1],))

# --- scband reference (transcript-rebuilt; emitter-appended) ---
"""Pipeline reference for scband-sinusoidal-position-encoding-69252052681268 (READ-ONLY COPY).

The authoritative reference and input builder live on the scoring server;
editing this copy changes nothing except your own understanding.
"""

import jax, jax.numpy as jnp
import numpy as np
import math


def make_sinusoid_table(n_position, d_hid, base=10000.0, ntk_alpha=1.0, scaling_factor=1.0):
    if ntk_alpha is not None and ntk_alpha != 1:
        base = base * ntk_alpha ** (d_hid / (d_hid - 2))
    position = jnp.arange(0, n_position, dtype=jnp.float32)[:, None]
    div_term = jnp.exp(jnp.arange(0, d_hid, 2, dtype=jnp.float32) * (-math.log(base) / d_hid))
    if scaling_factor is not None and scaling_factor != 1:
        position = position / scaling_factor
    table = jnp.zeros((n_position, d_hid), dtype=jnp.float32)
    table = table.at[:, 0::2].set(jnp.sin(position * div_term))
    table = table.at[:, 1::2].set(jnp.cos(position * div_term))
    return table


def setup_inputs(seed: int = 0) -> dict:
    key = jax.random.key(seed)
    max_position = 8192
    embedding_size = 1024
    batch, seq_len = 4, 8192
    position_ids = jax.random.randint(jax.random.fold_in(key, 0), (batch, seq_len), 0, max_position, dtype=jnp.int64 if jax.config.jax_enable_x64 else jnp.int32)
    table = make_sinusoid_table(max_position, embedding_size)
    return {"position_ids": position_ids, "table": table}


def reference(position_ids, table):
    # nn.Embedding lookup: gather rows of the sinusoid table
    return jnp.take(table, position_ids, axis=0)

if __name__ == "__main__":
    import jax
    _d = setup_inputs()
    print(jax.jit(kernel)(*tuple(_d.values())))

</pallas_src>

<mosaic_0001>
#map = affine_map<(d0, d1) -> (0, 0, 0)>
#map1 = affine_map<(d0, d1) -> (0, 0)>
module attributes {stable_mosaic.version = 14 : i64} {
  func.func @k(%arg0: i32, %arg1: i32, %arg2: memref<32x64x16xi32, #tpu.memory_space<hbm>>, %arg3: memref<8192x1024xf32, #tpu.memory_space<hbm>>, %arg4: memref<32768x1024xf32, #tpu.memory_space<hbm>>, %arg5: memref<64x16xi32, #tpu.memory_space<vmem>>, %arg6: memref<16x1024xf32, #tpu.memory_space<vmem>>, %arg7: memref<16x1024xf32, #tpu.memory_space<vmem>>, %arg8: memref<16x1024xf32, #tpu.memory_space<vmem>>, %arg9: memref<16x1024xf32, #tpu.memory_space<vmem>>, %arg10: memref<16x1024xf32, #tpu.memory_space<vmem>>, %arg11: memref<16x1024xf32, #tpu.memory_space<vmem>>, %arg12: memref<16x1024xf32, #tpu.memory_space<vmem>>, %arg13: memref<!tpu.dma_semaphore, #tpu.memory_space<semaphore_mem>>, %arg14: memref<!tpu.dma_semaphore, #tpu.memory_space<semaphore_mem>>, %arg15: memref<!tpu.dma_semaphore, #tpu.memory_space<semaphore_mem>>, %arg16: memref<!tpu.dma_semaphore, #tpu.memory_space<semaphore_mem>>, %arg17: memref<!tpu.dma_semaphore, #tpu.memory_space<semaphore_mem>>, %arg18: memref<!tpu.dma_semaphore, #tpu.memory_space<semaphore_mem>>, %arg19: memref<!tpu.dma_semaphore, #tpu.memory_space<semaphore_mem>>, %arg20: memref<!tpu.dma_semaphore, #tpu.memory_space<semaphore_mem>>, %arg21: memref<!tpu.dma_semaphore, #tpu.memory_space<semaphore_mem>>, %arg22: memref<!tpu.dma_semaphore, #tpu.memory_space<semaphore_mem>>, %arg23: memref<!tpu.dma_semaphore, #tpu.memory_space<semaphore_mem>>, %arg24: memref<!tpu.dma_semaphore, #tpu.memory_space<semaphore_mem>>, %arg25: memref<!tpu.dma_semaphore, #tpu.memory_space<semaphore_mem>>, %arg26: memref<!tpu.dma_semaphore, #tpu.memory_space<semaphore_mem>>) attributes {dimension_semantics = [#tpu.dimension_semantics<core_parallel>, #tpu.dimension_semantics<subcore_parallel>], iteration_bounds = array<i64: 2, 16>, scalar_prefetch = 0 : i64, scratch_operands = 22 : i64, tpu.core_type = #tpu.core_type<sc_vector_subcore>, window_params = [{transform_indices = #map}, {transform_indices = #map1}, {transform_indices = #map1}]} {
    %mul3A = arith.constant 2 : i32
    %mul3A_0 = arith.muli %arg1, %mul3A : i32
    %add3A = arith.addi %mul3A_0, %arg0 : i32
    %mul3A_1 = arith.constant 1024 : i32
    %mul3A_2 = arith.muli %add3A, %mul3A_1 : i32
    "tpu.region"() ({
      %run_scoped3A = tpu.sem_alloc : memref<!tpu.dma_semaphore, #tpu.memory_space<semaphore_mem>>
      %dma_start3A_110 = arith.constant 0 : i32
      %dma_start3A_111 = arith.constant 0 : i32
      %dma_start3A_112 = tpu.memref_slice %arg2[%add3A, %dma_start3A_110, %dma_start3A_111] : memref<32x64x16xi32, #tpu.memory_space<hbm>> -> memref<1x64x16xi32, #tpu.memory_space<hbm>>
      %dma_start3A_113 = tpu.memref_squeeze %dma_start3A_112 : memref<1x64x16xi32, #tpu.memory_space<hbm>> -> memref<64x16xi32, #tpu.memory_space<hbm>>
      %dma_start3A_114 = arith.constant 0 : i32
      %dma_start3A_115 = arith.constant 0 : i32
      %dma_start3A_116 = tpu.memref_slice %arg2[%add3A, %dma_start3A_114, %dma_start3A_115] : memref<32x64x16xi32, #tpu.memory_space<hbm>> -> memref<1x64x16xi32, #tpu.memory_space<hbm>>
      %dma_start3A_117 = tpu.memref_squeeze %dma_start3A_116 : memref<1x64x16xi32, #tpu.memory_space<hbm>> -> memref<64x16xi32, #tpu.memory_space<hbm>>
      tpu.enqueue_dma source(%dma_start3A_117 : memref<64x16xi32, #tpu.memory_space<hbm>>) target(%arg5 : memref<64x16xi32, #tpu.memory_space<vmem>>) target_semaphore(%run_scoped3A : memref<!tpu.dma_semaphore, #tpu.memory_space<semaphore_mem>>)
      %dma_wait3A_118 = arith.constant 0 : i32
      %dma_wait3A_119 = arith.constant 0 : i32
      %dma_wait3A_120 = tpu.memref_slice %arg2[%add3A, %dma_wait3A_118, %dma_wait3A_119] : memref<32x64x16xi32, #tpu.memory_space<hbm>> -> memref<1x64x16xi32, #tpu.memory_space<hbm>>
      %dma_wait3A_121 = tpu.memref_squeeze %dma_wait3A_120 : memref<1x64x16xi32, #tpu.memory_space<hbm>> -> memref<64x16xi32, #tpu.memory_space<hbm>>
      %dma_wait3A_122 = arith.constant 0 : i32
      %dma_wait3A_123 = arith.constant 0 : i32
      %dma_wait3A_124 = tpu.memref_slice %arg2[%add3A, %dma_wait3A_122, %dma_wait3A_123] : memref<32x64x16xi32, #tpu.memory_space<hbm>> -> memref<1x64x16xi32, #tpu.memory_space<hbm>>
      %dma_wait3A_125 = tpu.memref_squeeze %dma_wait3A_124 : memref<1x64x16xi32, #tpu.memory_space<hbm>> -> memref<64x16xi32, #tpu.memory_space<hbm>>
      tpu.wait_dma2 semaphore(%run_scoped3A : memref<!tpu.dma_semaphore, #tpu.memory_space<semaphore_mem>>) src(%dma_wait3A_125 : memref<64x16xi32, #tpu.memory_space<hbm>>) dst(%arg5 : memref<64x16xi32, #tpu.memory_space<vmem>>)
      tpu.yield
    }) : () -> ()
    %dma_start3A = arith.constant 0 : i32
    %dma_start3A_3 = arith.constant 0 : i32
    %dma_start3A_4 = tpu.memref_slice %arg5[%dma_start3A, %dma_start3A_3] : memref<64x16xi32, #tpu.memory_space<vmem>> -> memref<1x16xi32, #tpu.memory_space<vmem>>
    %dma_start3A_5 = tpu.memref_squeeze %dma_start3A_4 : memref<1x16xi32, #tpu.memory_space<vmem>> -> memref<16xi32, #tpu.memory_space<vmem>>
    %dma_start3A_6 = arith.constant 0 : i32
    %dma_start3A_7 = arith.constant 0 : i32
    %dma_start3A_8 = tpu.memref_slice %arg3[%dma_start3A_6, %dma_start3A_7] : memref<8192x1024xf32, #tpu.memory_space<hbm>> -> memref<8192x1024xf32, #tpu.memory_space<hbm>>
    tpu.enqueue_indirect_dma source(%dma_start3A_8 : memref<8192x1024xf32, #tpu.memory_space<hbm>>) target(%arg6 : memref<16x1024xf32, #tpu.memory_space<vmem>>) offsets(%dma_start3A_5 : memref<16xi32, #tpu.memory_space<vmem>>) semaphore(%arg13 : memref<!tpu.dma_semaphore, #tpu.memory_space<semaphore_mem>>)
    %dma_start3A_9 = arith.constant 1 : i32
    %dma_start3A_10 = arith.constant 0 : i32
    %dma_start3A_11 = tpu.memref_slice %arg5[%dma_start3A_9, %dma_start3A_10] : memref<64x16xi32, #tpu.memory_space<vmem>> -> memref<1x16xi32, #tpu.memory_space<vmem>>
    %dma_start3A_12 = tpu.memref_squeeze %dma_start3A_11 : memref<1x16xi32, #tpu.memory_space<vmem>> -> memref<16xi32, #tpu.memory_space<vmem>>
    %dma_start3A_13 = arith.constant 0 : i32
    %dma_start3A_14 = arith.constant 0 : i32
    %dma_start3A_15 = tpu.memref_slice %arg3[%dma_start3A_13, %dma_start3A_14] : memref<8192x1024xf32, #tpu.memory_space<hbm>> -> memref<8192x1024xf32, #tpu.memory_space<hbm>>
    tpu.enqueue_indirect_dma source(%dma_start3A_15 : memref<8192x1024xf32, #tpu.memory_space<hbm>>) target(%arg7 : memref<16x1024xf32, #tpu.memory_space<vmem>>) offsets(%dma_start3A_12 : memref<16xi32, #tpu.memory_space<vmem>>) semaphore(%arg14 : memref<!tpu.dma_semaphore, #tpu.memory_space<semaphore_mem>>)
    %dma_start3A_16 = arith.constant 2 : i32
    %dma_start3A_17 = arith.constant 0 : i32
    %dma_start3A_18 = tpu.memref_slice %arg5[%dma_start3A_16, %dma_start3A_17] : memref<64x16xi32, #tpu.memory_space<vmem>> -> memref<1x16xi32, #tpu.memory_space<vmem>>
    %dma_start3A_19 = tpu.memref_squeeze %dma_start3A_18 : memref<1x16xi32, #tpu.memory_space<vmem>> -> memref<16xi32, #tpu.memory_space<vmem>>
    %dma_start3A_20 = arith.constant 0 : i32
    %dma_start3A_21 = arith.constant 0 : i32
    %dma_start3A_22 = tpu.memref_slice %arg3[%dma_start3A_20, %dma_start3A_21] : memref<8192x1024xf32, #tpu.memory_space<hbm>> -> memref<8192x1024xf32, #tpu.memory_space<hbm>>
    tpu.enqueue_indirect_dma source(%dma_start3A_22 : memref<8192x1024xf32, #tpu.memory_space<hbm>>) target(%arg8 : memref<16x1024xf32, #tpu.memory_space<vmem>>) offsets(%dma_start3A_19 : memref<16xi32, #tpu.memory_space<vmem>>) semaphore(%arg15 : memref<!tpu.dma_semaphore, #tpu.memory_space<semaphore_mem>>)
    %dma_start3A_23 = arith.constant 3 : i32
    %dma_start3A_24 = arith.constant 0 : i32
    %dma_start3A_25 = tpu.memref_slice %arg5[%dma_start3A_23, %dma_start3A_24] : memref<64x16xi32, #tpu.memory_space<vmem>> -> memref<1x16xi32, #tpu.memory_space<vmem>>
    %dma_start3A_26 = tpu.memref_squeeze %dma_start3A_25 : memref<1x16xi32, #tpu.memory_space<vmem>> -> memref<16xi32, #tpu.memory_space<vmem>>
    %dma_start3A_27 = arith.constant 0 : i32
    %dma_start3A_28 = arith.constant 0 : i32
    %dma_start3A_29 = tpu.memref_slice %arg3[%dma_start3A_27, %dma_start3A_28] : memref<8192x1024xf32, #tpu.memory_space<hbm>> -> memref<8192x1024xf32, #tpu.memory_space<hbm>>
    tpu.enqueue_indirect_dma source(%dma_start3A_29 : memref<8192x1024xf32, #tpu.memory_space<hbm>>) target(%arg9 : memref<16x1024xf32, #tpu.memory_space<vmem>>) offsets(%dma_start3A_26 : memref<16xi32, #tpu.memory_space<vmem>>) semaphore(%arg16 : memref<!tpu.dma_semaphore, #tpu.memory_space<semaphore_mem>>)
    %dma_start3A_30 = arith.constant 4 : i32
    %dma_start3A_31 = arith.constant 0 : i32
    %dma_start3A_32 = tpu.memref_slice %arg5[%dma_start3A_30, %dma_start3A_31] : memref<64x16xi32, #tpu.memory_space<vmem>> -> memref<1x16xi32, #tpu.memory_space<vmem>>
    %dma_start3A_33 = tpu.memref_squeeze %dma_start3A_32 : memref<1x16xi32, #tpu.memory_space<vmem>> -> memref<16xi32, #tpu.memory_space<vmem>>
    %dma_start3A_34 = arith.constant 0 : i32
    %dma_start3A_35 = arith.constant 0 : i32
    %dma_start3A_36 = tpu.memref_slice %arg3[%dma_start3A_34, %dma_start3A_35] : memref<8192x1024xf32, #tpu.memory_space<hbm>> -> memref<8192x1024xf32, #tpu.memory_space<hbm>>
    tpu.enqueue_indirect_dma source(%dma_start3A_36 : memref<8192x1024xf32, #tpu.memory_space<hbm>>) target(%arg10 : memref<16x1024xf32, #tpu.memory_space<vmem>>) offsets(%dma_start3A_33 : memref<16xi32, #tpu.memory_space<vmem>>) semaphore(%arg17 : memref<!tpu.dma_semaphore, #tpu.memory_space<semaphore_mem>>)
    %dma_start3A_37 = arith.constant 5 : i32
    %dma_start3A_38 = arith.constant 0 : i32
    %dma_start3A_39 = tpu.memref_slice %arg5[%dma_start3A_37, %dma_start3A_38] : memref<64x16xi32, #tpu.memory_space<vmem>> -> memref<1x16xi32, #tpu.memory_space<vmem>>
    %dma_start3A_40 = tpu.memref_squeeze %dma_start3A_39 : memref<1x16xi32, #tpu.memory_space<vmem>> -> memref<16xi32, #tpu.memory_space<vmem>>
    %dma_start3A_41 = arith.constant 0 : i32
    %dma_start3A_42 = arith.constant 0 : i32
    %dma_start3A_43 = tpu.memref_slice %arg3[%dma_start3A_41, %dma_start3A_42] : memref<8192x1024xf32, #tpu.memory_space<hbm>> -> memref<8192x1024xf32, #tpu.memory_space<hbm>>
    tpu.enqueue_indirect_dma source(%dma_start3A_43 : memref<8192x1024xf32, #tpu.memory_space<hbm>>) target(%arg11 : memref<16x1024xf32, #tpu.memory_space<vmem>>) offsets(%dma_start3A_40 : memref<16xi32, #tpu.memory_space<vmem>>) semaphore(%arg18 : memref<!tpu.dma_semaphore, #tpu.memory_space<semaphore_mem>>)
    %dma_start3A_44 = arith.constant 6 : i32
    %dma_start3A_45 = arith.constant 0 : i32
    %dma_start3A_46 = tpu.memref_slice %arg5[%dma_start3A_44, %dma_start3A_45] : memref<64x16xi32, #tpu.memory_space<vmem>> -> memref<1x16xi32, #tpu.memory_space<vmem>>
    %dma_start3A_47 = tpu.memref_squeeze %dma_start3A_46 : memref<1x16xi32, #tpu.memory_space<vmem>> -> memref<16xi32, #tpu.memory_space<vmem>>
    %dma_start3A_48 = arith.constant 0 : i32
    %dma_start3A_49 = arith.constant 0 : i32
    %dma_start3A_50 = tpu.memref_slice %arg3[%dma_start3A_48, %dma_start3A_49] : memref<8192x1024xf32, #tpu.memory_space<hbm>> -> memref<8192x1024xf32, #tpu.memory_space<hbm>>
    tpu.enqueue_indirect_dma source(%dma_start3A_50 : memref<8192x1024xf32, #tpu.memory_space<hbm>>) target(%arg12 : memref<16x1024xf32, #tpu.memory_space<vmem>>) offsets(%dma_start3A_47 : memref<16xi32, #tpu.memory_space<vmem>>) semaphore(%arg19 : memref<!tpu.dma_semaphore, #tpu.memory_space<semaphore_mem>>)
    %scan3A = arith.constant 0 : i32
    %scan3A_51 = arith.constant 0 : i32
    %scan3A_52 = arith.constant 9 : i32
    %scan3A_53 = arith.addi %scan3A_51, %scan3A_52 : i32
    %scan3A_54 = arith.constant 1 : i32
    scf.for %scan3A_110 = %scan3A_51 to %scan3A_53 step %scan3A_54  : i32 {
      %mul3A_111 = arith.constant 7 : i32
      %mul3A_112 = arith.muli %scan3A_110, %mul3A_111 : i32
      %add3A_113 = arith.constant 0 : i32
      %add3A_114 = arith.addi %mul3A_112, %add3A_113 : i32
      %dma_wait3A_115 = arith.constant 0 : i32
      %dma_wait3A_116 = tpu.memref_slice %arg5[%add3A_114, %dma_wait3A_115] : memref<64x16xi32, #tpu.memory_space<vmem>> -> memref<1x16xi32, #tpu.memory_space<vmem>>
      %dma_wait3A_117 = tpu.memref_squeeze %dma_wait3A_116 : memref<1x16xi32, #tpu.memory_space<vmem>> -> memref<16xi32, #tpu.memory_space<vmem>>
      %dma_wait3A_118 = arith.constant 0 : i32
      %dma_wait3A_119 = arith.constant 0 : i32
      %dma_wait3A_120 = tpu.memref_slice %arg3[%dma_wait3A_118, %dma_wait3A_119] : memref<8192x1024xf32, #tpu.memory_space<hbm>> -> memref<8192x1024xf32, #tpu.memory_space<hbm>>
      tpu.wait_indirect_dma semaphore(%arg13 : memref<!tpu.dma_semaphore, #tpu.memory_space<semaphore_mem>>) src(%dma_wait3A_120 : memref<8192x1024xf32, #tpu.memory_space<hbm>>) dst(%arg6 : memref<16x1024xf32, #tpu.memory_space<vmem>>)
      %mul3A_121 = arith.constant 16 : i32
      %mul3A_122 = arith.muli %add3A_114, %mul3A_121 : i32
      %add3A_123 = arith.addi %mul3A_2, %mul3A_122 : i32
      %dma_start3A_124 = arith.constant 0 : i32
      %dma_start3A_125 = tpu.memref_slice %arg4[%add3A_123, %dma_start3A_124] : memref<32768x1024xf32, #tpu.memory_space<hbm>> -> memref<16x1024xf32, #tpu.memory_space<hbm>>
      %dma_start3A_126 = arith.constant 0 : i32
      %dma_start3A_127 = tpu.memref_slice %arg4[%add3A_123, %dma_start3A_126] : memref<32768x1024xf32, #tpu.memory_space<hbm>> -> memref<16x1024xf32, #tpu.memory_space<hbm>>
      tpu.enqueue_dma source(%arg6 : memref<16x1024xf32, #tpu.memory_space<vmem>>) target(%dma_start3A_127 : memref<16x1024xf32, #tpu.memory_space<hbm>>) target_semaphore(%arg20 : memref<!tpu.dma_semaphore, #tpu.memory_space<semaphore_mem>>)
      %add3A_128 = arith.constant 1 : i32
      %add3A_129 = arith.addi %mul3A_112, %add3A_128 : i32
      %dma_wait3A_130 = arith.constant 0 : i32
      %dma_wait3A_131 = tpu.memref_slice %arg5[%add3A_129, %dma_wait3A_130] : memref<64x16xi32, #tpu.memory_space<vmem>> -> memref<1x16xi32, #tpu.memory_space<vmem>>
      %dma_wait3A_132 = tpu.memref_squeeze %dma_wait3A_131 : memref<1x16xi32, #tpu.memory_space<vmem>> -> memref<16xi32, #tpu.memory_space<vmem>>
      %dma_wait3A_133 = arith.constant 0 : i32
      %dma_wait3A_134 = arith.constant 0 : i32
      %dma_wait3A_135 = tpu.memref_slice %arg3[%dma_wait3A_133, %dma_wait3A_134] : memref<8192x1024xf32, #tpu.memory_space<hbm>> -> memref<8192x1024xf32, #tpu.memory_space<hbm>>
      tpu.wait_indirect_dma semaphore(%arg14 : memref<!tpu.dma_semaphore, #tpu.memory_space<semaphore_mem>>) src(%dma_wait3A_135 : memref<8192x1024xf32, #tpu.memory_space<hbm>>) dst(%arg7 : memref<16x1024xf32, #tpu.memory_space<vmem>>)
      %mul3A_136 = arith.constant 16 : i32
      %mul3A_137 = arith.muli %add3A_129, %mul3A_136 : i32
      %add3A_138 = arith.addi %mul3A_2, %mul3A_137 : i32
      %dma_start3A_139 = arith.constant 0 : i32
      %dma_start3A_140 = tpu.memref_slice %arg4[%add3A_138, %dma_start3A_139] : memref<32768x1024xf32, #tpu.memory_space<hbm>> -> memref<16x1024xf32, #tpu.memory_space<hbm>>
      %dma_start3A_141 = arith.constant 0 : i32
      %dma_start3A_142 = tpu.memref_slice %arg4[%add3A_138, %dma_start3A_141] : memref<32768x1024xf32, #tpu.memory_space<hbm>> -> memref<16x1024xf32, #tpu.memory_space<hbm>>
      tpu.enqueue_dma source(%arg7 : memref<16x1024xf32, #tpu.memory_space<vmem>>) target(%dma_start3A_142 : memref<16x1024xf32, #tpu.memory_space<hbm>>) target_semaphore(%arg21 : memref<!tpu.dma_semaphore, #tpu.memory_space<semaphore_mem>>)
      %add3A_143 = arith.constant 2 : i32
      %add3A_144 = arith.addi %mul3A_112, %add3A_143 : i32
      %dma_wait3A_145 = arith.constant 0 : i32
      %dma_wait3A_146 = tpu.memref_slice %arg5[%add3A_144, %dma_wait3A_145] : memref<64x16xi32, #tpu.memory_space<vmem>> -> memref<1x16xi32, #tpu.memory_space<vmem>>
      %dma_wait3A_147 = tpu.memref_squeeze %dma_wait3A_146 : memref<1x16xi32, #tpu.memory_space<vmem>> -> memref<16xi32, #tpu.memory_space<vmem>>
      %dma_wait3A_148 = arith.constant 0 : i32
      %dma_wait3A_149 = arith.constant 0 : i32
      %dma_wait3A_150 = tpu.memref_slice %arg3[%dma_wait3A_148, %dma_wait3A_149] : memref<8192x1024xf32, #tpu.memory_space<hbm>> -> memref<8192x1024xf32, #tpu.memory_space<hbm>>
      tpu.wait_indirect_dma semaphore(%arg15 : memref<!tpu.dma_semaphore, #tpu.memory_space<semaphore_mem>>) src(%dma_wait3A_150 : memref<8192x1024xf32, #tpu.memory_space<hbm>>) dst(%arg8 : memref<16x1024xf32, #tpu.memory_space<vmem>>)
      %mul3A_151 = arith.constant 16 : i32
      %mul3A_152 = arith.muli %add3A_144, %mul3A_151 : i32
      %add3A_153 = arith.addi %mul3A_2, %mul3A_152 : i32
      %dma_start3A_154 = arith.constant 0 : i32
      %dma_start3A_155 = tpu.memref_slice %arg4[%add3A_153, %dma_start3A_154] : memref<32768x1024xf32, #tpu.memory_space<hbm>> -> memref<16x1024xf32, #tpu.memory_space<hbm>>
      %dma_start3A_156 = arith.constant 0 : i32
      %dma_start3A_157 = tpu.memref_slice %arg4[%add3A_153, %dma_start3A_156] : memref<32768x1024xf32, #tpu.memory_space<hbm>> -> memref<16x1024xf32, #tpu.memory_space<hbm>>
      tpu.enqueue_dma source(%arg8 : memref<16x1024xf32, #tpu.memory_space<vmem>>) target(%dma_start3A_157 : memref<16x1024xf32, #tpu.memory_space<hbm>>) target_semaphore(%arg22 : memref<!tpu.dma_semaphore, #tpu.memory_space<semaphore_mem>>)
      %add3A_158 = arith.constant 3 : i32
      %add3A_159 = arith.addi %mul3A_112, %add3A_158 : i32
      %dma_wait3A_160 = arith.constant 0 : i32
      %dma_wait3A_161 = tpu.memref_slice %arg5[%add3A_159, %dma_wait3A_160] : memref<64x16xi32, #tpu.memory_space<vmem>> -> memref<1x16xi32, #tpu.memory_space<vmem>>
      %dma_wait3A_162 = tpu.memref_squeeze %dma_wait3A_161 : memref<1x16xi32, #tpu.memory_space<vmem>> -> memref<16xi32, #tpu.memory_space<vmem>>
      %dma_wait3A_163 = arith.constant 0 : i32
      %dma_wait3A_164 = arith.constant 0 : i32
      %dma_wait3A_165 = tpu.memref_slice %arg3[%dma_wait3A_163, %dma_wait3A_164] : memref<8192x1024xf32, #tpu.memory_space<hbm>> -> memref<8192x1024xf32, #tpu.memory_space<hbm>>
      tpu.wait_indirect_dma semaphore(%arg16 : memref<!tpu.dma_semaphore, #tpu.memory_space<semaphore_mem>>) src(%dma_wait3A_165 : memref<8192x1024xf32, #tpu.memory_space<hbm>>) dst(%arg9 : memref<16x1024xf32, #tpu.memory_space<vmem>>)
      %mul3A_166 = arith.constant 16 : i32
      %mul3A_167 = arith.muli %add3A_159, %mul3A_166 : i32
      %add3A_168 = arith.addi %mul3A_2, %mul3A_167 : i32
      %dma_start3A_169 = arith.constant 0 : i32
      %dma_start3A_170 = tpu.memref_slice %arg4[%add3A_168, %dma_start3A_169] : memref<32768x1024xf32, #tpu.memory_space<hbm>> -> memref<16x1024xf32, #tpu.memory_space<hbm>>
      %dma_start3A_171 = arith.constant 0 : i32
      %dma_start3A_172 = tpu.memref_slice %arg4[%add3A_168, %dma_start3A_171] : memref<32768x1024xf32, #tpu.memory_space<hbm>> -> memref<16x1024xf32, #tpu.memory_space<hbm>>
      tpu.enqueue_dma source(%arg9 : memref<16x1024xf32, #tpu.memory_space<vmem>>) target(%dma_start3A_172 : memref<16x1024xf32, #tpu.memory_space<hbm>>) target_semaphore(%arg23 : memref<!tpu.dma_semaphore, #tpu.memory_space<semaphore_mem>>)
      %add3A_173 = arith.constant 4 : i32
      %add3A_174 = arith.addi %mul3A_112, %add3A_173 : i32
      %dma_wait3A_175 = arith.constant 0 : i32
      %dma_wait3A_176 = tpu.memref_slice %arg5[%add3A_174, %dma_wait3A_175] : memref<64x16xi32, #tpu.memory_space<vmem>> -> memref<1x16xi32, #tpu.memory_space<vmem>>
      %dma_wait3A_177 = tpu.memref_squeeze %dma_wait3A_176 : memref<1x16xi32, #tpu.memory_space<vmem>> -> memref<16xi32, #tpu.memory_space<vmem>>
      %dma_wait3A_178 = arith.constant 0 : i32
      %dma_wait3A_179 = arith.constant 0 : i32
      %dma_wait3A_180 = tpu.memref_slice %arg3[%dma_wait3A_178, %dma_wait3A_179] : memref<8192x1024xf32, #tpu.memory_space<hbm>> -> memref<8192x1024xf32, #tpu.memory_space<hbm>>
      tpu.wait_indirect_dma semaphore(%arg17 : memref<!tpu.dma_semaphore, #tpu.memory_space<semaphore_mem>>) src(%dma_wait3A_180 : memref<8192x1024xf32, #tpu.memory_space<hbm>>) dst(%arg10 : memref<16x1024xf32, #tpu.memory_space<vmem>>)
      %mul3A_181 = arith.constant 16 : i32
      %mul3A_182 = arith.muli %add3A_174, %mul3A_181 : i32
      %add3A_183 = arith.addi %mul3A_2, %mul3A_182 : i32
      %dma_start3A_184 = arith.constant 0 : i32
      %dma_start3A_185 = tpu.memref_slice %arg4[%add3A_183, %dma_start3A_184] : memref<32768x1024xf32, #tpu.memory_space<hbm>> -> memref<16x1024xf32, #tpu.memory_space<hbm>>
      %dma_start3A_186 = arith.constant 0 : i32
      %dma_start3A_187 = tpu.memref_slice %arg4[%add3A_183, %dma_start3A_186] : memref<32768x1024xf32, #tpu.memory_space<hbm>> -> memref<16x1024xf32, #tpu.memory_space<hbm>>
      tpu.enqueue_dma source(%arg10 : memref<16x1024xf32, #tpu.memory_space<vmem>>) target(%dma_start3A_187 : memref<16x1024xf32, #tpu.memory_space<hbm>>) target_semaphore(%arg24 : memref<!tpu.dma_semaphore, #tpu.memory_space<semaphore_mem>>)
      %add3A_188 = arith.constant 5 : i32
      %add3A_189 = arith.addi %mul3A_112, %add3A_188 : i32
      %dma_wait3A_190 = arith.constant 0 : i32
      %dma_wait3A_191 = tpu.memref_slice %arg5[%add3A_189, %dma_wait3A_190] : memref<64x16xi32, #tpu.memory_space<vmem>> -> memref<1x16xi32, #tpu.memory_space<vmem>>
      %dma_wait3A_192 = tpu.memref_squeeze %dma_wait3A_191 : memref<1x16xi32, #tpu.memory_space<vmem>> -> memref<16xi32, #tpu.memory_space<vmem>>
      %dma_wait3A_193 = arith.constant 0 : i32
      %dma_wait3A_194 = arith.constant 0 : i32
      %dma_wait3A_195 = tpu.memref_slice %arg3[%dma_wait3A_193, %dma_wait3A_194] : memref<8192x1024xf32, #tpu.memory_space<hbm>> -> memref<8192x1024xf32, #tpu.memory_space<hbm>>
      tpu.wait_indirect_dma semaphore(%arg18 : memref<!tpu.dma_semaphore, #tpu.memory_space<semaphore_mem>>) src(%dma_wait3A_195 : memref<8192x1024xf32, #tpu.memory_space<hbm>>) dst(%arg11 : memref<16x1024xf32, #tpu.memory_space<vmem>>)
      %mul3A_196 = arith.constant 16 : i32
      %mul3A_197 = arith.muli %add3A_189, %mul3A_196 : i32
      %add3A_198 = arith.addi %mul3A_2, %mul3A_197 : i32
      %dma_start3A_199 = arith.constant 0 : i32
      %dma_start3A_200 = tpu.memref_slice %arg4[%add3A_198, %dma_start3A_199] : memref<32768x1024xf32, #tpu.memory_space<hbm>> -> memref<16x1024xf32, #tpu.memory_space<hbm>>
      %dma_start3A_201 = arith.constant 0 : i32
      %dma_start3A_202 = tpu.memref_slice %arg4[%add3A_198, %dma_start3A_201] : memref<32768x1024xf32, #tpu.memory_space<hbm>> -> memref<16x1024xf32, #tpu.memory_space<hbm>>
      tpu.enqueue_dma source(%arg11 : memref<16x1024xf32, #tpu.memory_space<vmem>>) target(%dma_start3A_202 : memref<16x1024xf32, #tpu.memory_space<hbm>>) target_semaphore(%arg25 : memref<!tpu.dma_semaphore, #tpu.memory_space<semaphore_mem>>)
      %add3A_203 = arith.constant 6 : i32
      %add3A_204 = arith.addi %mul3A_112, %add3A_203 : i32
      %dma_wait3A_205 = arith.constant 0 : i32
      %dma_wait3A_206 = tpu.memref_slice %arg5[%add3A_204, %dma_wait3A_205] : memref<64x16xi32, #tpu.memory_space<vmem>> -> memref<1x16xi32, #tpu.memory_space<vmem>>
      %dma_wait3A_207 = tpu.memref_squeeze %dma_wait3A_206 : memref<1x16xi32, #tpu.memory_space<vmem>> -> memref<16xi32, #tpu.memory_space<vmem>>
      %dma_wait3A_208 = arith.constant 0 : i32
      %dma_wait3A_209 = arith.constant 0 : i32
      %dma_wait3A_210 = tpu.memref_slice %arg3[%dma_wait3A_208, %dma_wait3A_209] : memref<8192x1024xf32, #tpu.memory_space<hbm>> -> memref<8192x1024xf32, #tpu.memory_space<hbm>>
      tpu.wait_indirect_dma semaphore(%arg19 : memref<!tpu.dma_semaphore, #tpu.memory_space<semaphore_mem>>) src(%dma_wait3A_210 : memref<8192x1024xf32, #tpu.memory_space<hbm>>) dst(%arg12 : memref<16x1024xf32, #tpu.memory_space<vmem>>)
      %mul3A_211 = arith.constant 16 : i32
      %mul3A_212 = arith.muli %add3A_204, %mul3A_211 : i32
      %add3A_213 = arith.addi %mul3A_2, %mul3A_212 : i32
      %dma_start3A_214 = arith.constant 0 : i32
      %dma_start3A_215 = tpu.memref_slice %arg4[%add3A_213, %dma_start3A_214] : memref<32768x1024xf32, #tpu.memory_space<hbm>> -> memref<16x1024xf32, #tpu.memory_space<hbm>>
      %dma_start3A_216 = arith.constant 0 : i32
      %dma_start3A_217 = tpu.memref_slice %arg4[%add3A_213, %dma_start3A_216] : memref<32768x1024xf32, #tpu.memory_space<hbm>> -> memref<16x1024xf32, #tpu.memory_space<hbm>>
      tpu.enqueue_dma source(%arg12 : memref<16x1024xf32, #tpu.memory_space<vmem>>) target(%dma_start3A_217 : memref<16x1024xf32, #tpu.memory_space<hbm>>) target_semaphore(%arg26 : memref<!tpu.dma_semaphore, #tpu.memory_space<semaphore_mem>>)
      %add3A_218 = arith.constant 0 : i32
      %add3A_219 = arith.addi %mul3A_112, %add3A_218 : i32
      %add3A_220 = arith.constant 7 : i32
      %add3A_221 = arith.addi %add3A_219, %add3A_220 : i32
      %lt3A = arith.constant 64 : i32
      %lt3A_222 = arith.cmpi slt, %add3A_221, %lt3A : i32
      %convert_element_type3A = arith.extui %lt3A_222 : i1 to i32
      %cond3A = arith.constant 0 : i32
      %cond3A_223 = arith.cmpi ne, %convert_element_type3A, %cond3A : i32
      scf.if %cond3A_223 {
        %mul3A_278 = arith.constant 16 : i32
        %mul3A_279 = arith.muli %add3A_219, %mul3A_278 : i32
        %add3A_280 = arith.addi %mul3A_2, %mul3A_279 : i32
        %dma_wait3A_281 = arith.constant 0 : i32
        %dma_wait3A_282 = tpu.memref_slice %arg4[%add3A_280, %dma_wait3A_281] : memref<32768x1024xf32, #tpu.memory_space<hbm>> -> memref<16x1024xf32, #tpu.memory_space<hbm>>
        %dma_wait3A_283 = arith.constant 0 : i32
        %dma_wait3A_284 = tpu.memref_slice %arg4[%add3A_280, %dma_wait3A_283] : memref<32768x1024xf32, #tpu.memory_space<hbm>> -> memref<16x1024xf32, #tpu.memory_space<hbm>>
        tpu.wait_dma2 semaphore(%arg20 : memref<!tpu.dma_semaphore, #tpu.memory_space<semaphore_mem>>) src(%arg6 : memref<16x1024xf32, #tpu.memory_space<vmem>>) dst(%dma_wait3A_284 : memref<16x1024xf32, #tpu.memory_space<hbm>>)
        %add3A_285 = arith.constant 7 : i32
        %add3A_286 = arith.addi %add3A_219, %add3A_285 : i32
        %dma_start3A_287 = arith.constant 0 : i32
        %dma_start3A_288 = tpu.memref_slice %arg5[%add3A_286, %dma_start3A_287] : memref<64x16xi32, #tpu.memory_space<vmem>> -> memref<1x16xi32, #tpu.memory_space<vmem>>
        %dma_start3A_289 = tpu.memref_squeeze %dma_start3A_288 : memref<1x16xi32, #tpu.memory_space<vmem>> -> memref<16xi32, #tpu.memory_space<vmem>>
        %dma_start3A_290 = arith.constant 0 : i32
        %dma_start3A_291 = arith.constant 0 : i32
        %dma_start3A_292 = tpu.memref_slice %arg3[%dma_start3A_290, %dma_start3A_291] : memref<8192x1024xf32, #tpu.memory_space<hbm>> -> memref<8192x1024xf32, #tpu.memory_space<hbm>>
        tpu.enqueue_indirect_dma source(%dma_start3A_292 : memref<8192x1024xf32, #tpu.memory_space<hbm>>) target(%arg6 : memref<16x1024xf32, #tpu.memory_space<vmem>>) offsets(%dma_start3A_289 : memref<16xi32, #tpu.memory_space<vmem>>) semaphore(%arg13 : memref<!tpu.dma_semaphore, #tpu.memory_space<semaphore_mem>>)
      } else {
      }
      %add3A_224 = arith.constant 1 : i32
      %add3A_225 = arith.addi %mul3A_112, %add3A_224 : i32
      %add3A_226 = arith.constant 7 : i32
      %add3A_227 = arith.addi %add3A_225, %add3A_226 : i32
      %lt3A_228 = arith.constant 64 : i32
      %lt3A_229 = arith.cmpi slt, %add3A_227, %lt3A_228 : i32
      %convert_element_type3A_230 = arith.extui %lt3A_229 : i1 to i32
      %cond3A_231 = arith.constant 0 : i32
      %cond3A_232 = arith.cmpi ne, %convert_element_type3A_230, %cond3A_231 : i32
      scf.if %cond3A_232 {
        %mul3A_278 = arith.constant 16 : i32
        %mul3A_279 = arith.muli %add3A_225, %mul3A_278 : i32
        %add3A_280 = arith.addi %mul3A_2, %mul3A_279 : i32
        %dma_wait3A_281 = arith.constant 0 : i32
        %dma_wait3A_282 = tpu.memref_slice %arg4[%add3A_280, %dma_wait3A_281] : memref<32768x1024xf32, #tpu.memory_space<hbm>> -> memref<16x1024xf32, #tpu.memory_space<hbm>>
        %dma_wait3A_283 = arith.constant 0 : i32
        %dma_wait3A_284 = tpu.memref_slice %arg4[%add3A_280, %dma_wait3A_283] : memref<32768x1024xf32, #tpu.memory_space<hbm>> -> memref<16x1024xf32, #tpu.memory_space<hbm>>
        tpu.wait_dma2 semaphore(%arg21 : memref<!tpu.dma_semaphore, #tpu.memory_space<semaphore_mem>>) src(%arg7 : memref<16x1024xf32, #tpu.memory_space<vmem>>) dst(%dma_wait3A_284 : memref<16x1024xf32, #tpu.memory_space<hbm>>)
        %add3A_285 = arith.constant 7 : i32
        %add3A_286 = arith.addi %add3A_225, %add3A_285 : i32
        %dma_start3A_287 = arith.constant 0 : i32
        %dma_start3A_288 = tpu.memref_slice %arg5[%add3A_286, %dma_start3A_287] : memref<64x16xi32, #tpu.memory_space<vmem>> -> memref<1x16xi32, #tpu.memory_space<vmem>>
        %dma_start3A_289 = tpu.memref_squeeze %dma_start3A_288 : memref<1x16xi32, #tpu.memory_space<vmem>> -> memref<16xi32, #tpu.memory_space<vmem>>
        %dma_start3A_290 = arith.constant 0 : i32
        %dma_start3A_291 = arith.constant 0 : i32
        %dma_start3A_292 = tpu.memref_slice %arg3[%dma_start3A_290, %dma_start3A_291] : memref<8192x1024xf32, #tpu.memory_space<hbm>> -> memref<8192x1024xf32, #tpu.memory_space<hbm>>
        tpu.enqueue_indirect_dma source(%dma_start3A_292 : memref<8192x1024xf32, #tpu.memory_space<hbm>>) target(%arg7 : memref<16x1024xf32, #tpu.memory_space<vmem>>) offsets(%dma_start3A_289 : memref<16xi32, #tpu.memory_space<vmem>>) semaphore(%arg14 : memref<!tpu.dma_semaphore, #tpu.memory_space<semaphore_mem>>)
      } else {
      }
      %add3A_233 = arith.constant 2 : i32
      %add3A_234 = arith.addi %mul3A_112, %add3A_233 : i32
      %add3A_235 = arith.constant 7 : i32
      %add3A_236 = arith.addi %add3A_234, %add3A_235 : i32
      %lt3A_237 = arith.constant 64 : i32
      %lt3A_238 = arith.cmpi slt, %add3A_236, %lt3A_237 : i32
      %convert_element_type3A_239 = arith.extui %lt3A_238 : i1 to i32
      %cond3A_240 = arith.constant 0 : i32
      %cond3A_241 = arith.cmpi ne, %convert_element_type3A_239, %cond3A_240 : i32
      scf.if %cond3A_241 {
        %mul3A_278 = arith.constant 16 : i32
        %mul3A_279 = arith.muli %add3A_234, %mul3A_278 : i32
        %add3A_280 = arith.addi %mul3A_2, %mul3A_279 : i32
        %dma_wait3A_281 = arith.constant 0 : i32
        %dma_wait3A_282 = tpu.memref_slice %arg4[%add3A_280, %dma_wait3A_281] : memref<32768x1024xf32, #tpu.memory_space<hbm>> -> memref<16x1024xf32, #tpu.memory_space<hbm>>
        %dma_wait3A_283 = arith.constant 0 : i32
        %dma_wait3A_284 = tpu.memref_slice %arg4[%add3A_280, %dma_wait3A_283] : memref<32768x1024xf32, #tpu.memory_space<hbm>> -> memref<16x1024xf32, #tpu.memory_space<hbm>>
        tpu.wait_dma2 semaphore(%arg22 : memref<!tpu.dma_semaphore, #tpu.memory_space<semaphore_mem>>) src(%arg8 : memref<16x1024xf32, #tpu.memory_space<vmem>>) dst(%dma_wait3A_284 : memref<16x1024xf32, #tpu.memory_space<hbm>>)
        %add3A_285 = arith.constant 7 : i32
        %add3A_286 = arith.addi %add3A_234, %add3A_285 : i32
        %dma_start3A_287 = arith.constant 0 : i32
        %dma_start3A_288 = tpu.memref_slice %arg5[%add3A_286, %dma_start3A_287] : memref<64x16xi32, #tpu.memory_space<vmem>> -> memref<1x16xi32, #tpu.memory_space<vmem>>
        %dma_start3A_289 = tpu.memref_squeeze %dma_start3A_288 : memref<1x16xi32, #tpu.memory_space<vmem>> -> memref<16xi32, #tpu.memory_space<vmem>>
        %dma_start3A_290 = arith.constant 0 : i32
        %dma_start3A_291 = arith.constant 0 : i32
        %dma_start3A_292 = tpu.memref_slice %arg3[%dma_start3A_290, %dma_start3A_291] : memref<8192x1024xf32, #tpu.memory_space<hbm>> -> memref<8192x1024xf32, #tpu.memory_space<hbm>>
        tpu.enqueue_indirect_dma source(%dma_start3A_292 : memref<8192x1024xf32, #tpu.memory_space<hbm>>) target(%arg8 : memref<16x1024xf32, #tpu.memory_space<vmem>>) offsets(%dma_start3A_289 : memref<16xi32, #tpu.memory_space<vmem>>) semaphore(%arg15 : memref<!tpu.dma_semaphore, #tpu.memory_space<semaphore_mem>>)
      } else {
      }
      %add3A_242 = arith.constant 3 : i32
      %add3A_243 = arith.addi %mul3A_112, %add3A_242 : i32
      %add3A_244 = arith.constant 7 : i32
      %add3A_245 = arith.addi %add3A_243, %add3A_244 : i32
      %lt3A_246 = arith.constant 64 : i32
      %lt3A_247 = arith.cmpi slt, %add3A_245, %lt3A_246 : i32
      %convert_element_type3A_248 = arith.extui %lt3A_247 : i1 to i32
      %cond3A_249 = arith.constant 0 : i32
      %cond3A_250 = arith.cmpi ne, %convert_element_type3A_248, %cond3A_249 : i32
      scf.if %cond3A_250 {
        %mul3A_278 = arith.constant 16 : i32
        %mul3A_279 = arith.muli %add3A_243, %mul3A_278 : i32
        %add3A_280 = arith.addi %mul3A_2, %mul3A_279 : i32
        %dma_wait3A_281 = arith.constant 0 : i32
        %dma_wait3A_282 = tpu.memref_slice %arg4[%add3A_280, %dma_wait3A_281] : memref<32768x1024xf32, #tpu.memory_space<hbm>> -> memref<16x1024xf32, #tpu.memory_space<hbm>>
        %dma_wait3A_283 = arith.constant 0 : i32
        %dma_wait3A_284 = tpu.memref_slice %arg4[%add3A_280, %dma_wait3A_283] : memref<32768x1024xf32, #tpu.memory_space<hbm>> -> memref<16x1024xf32, #tpu.memory_space<hbm>>
        tpu.wait_dma2 semaphore(%arg23 : memref<!tpu.dma_semaphore, #tpu.memory_space<semaphore_mem>>) src(%arg9 : memref<16x1024xf32, #tpu.memory_space<vmem>>) dst(%dma_wait3A_284 : memref<16x1024xf32, #tpu.memory_space<hbm>>)
        %add3A_285 = arith.constant 7 : i32
        %add3A_286 = arith.addi %add3A_243, %add3A_285 : i32
        %dma_start3A_287 = arith.constant 0 : i32
        %dma_start3A_288 = tpu.memref_slice %arg5[%add3A_286, %dma_start3A_287] : memref<64x16xi32, #tpu.memory_space<vmem>> -> memref<1x16xi32, #tpu.memory_space<vmem>>
        %dma_start3A_289 = tpu.memref_squeeze %dma_start3A_288 : memref<1x16xi32, #tpu.memory_space<vmem>> -> memref<16xi32, #tpu.memory_space<vmem>>
        %dma_start3A_290 = arith.constant 0 : i32
        %dma_start3A_291 = arith.constant 0 : i32
        %dma_start3A_292 = tpu.memref_slice %arg3[%dma_start3A_290, %dma_start3A_291] : memref<8192x1024xf32, #tpu.memory_space<hbm>> -> memref<8192x1024xf32, #tpu.memory_space<hbm>>
        tpu.enqueue_indirect_dma source(%dma_start3A_292 : memref<8192x1024xf32, #tpu.memory_space<hbm>>) target(%arg9 : memref<16x1024xf32, #tpu.memory_space<vmem>>) offsets(%dma_start3A_289 : memref<16xi32, #tpu.memory_space<vmem>>) semaphore(%arg16 : memref<!tpu.dma_semaphore, #tpu.memory_space<semaphore_mem>>)
      } else {
      }
      %add3A_251 = arith.constant 4 : i32
      %add3A_252 = arith.addi %mul3A_112, %add3A_251 : i32
      %add3A_253 = arith.constant 7 : i32
      %add3A_254 = arith.addi %add3A_252, %add3A_253 : i32
      %lt3A_255 = arith.constant 64 : i32
      %lt3A_256 = arith.cmpi slt, %add3A_254, %lt3A_255 : i32
      %convert_element_type3A_257 = arith.extui %lt3A_256 : i1 to i32
      %cond3A_258 = arith.constant 0 : i32
      %cond3A_259 = arith.cmpi ne, %convert_element_type3A_257, %cond3A_258 : i32
      scf.if %cond3A_259 {
        %mul3A_278 = arith.constant 16 : i32
        %mul3A_279 = arith.muli %add3A_252, %mul3A_278 : i32
        %add3A_280 = arith.addi %mul3A_2, %mul3A_279 : i32
        %dma_wait3A_281 = arith.constant 0 : i32
        %dma_wait3A_282 = tpu.memref_slice %arg4[%add3A_280, %dma_wait3A_281] : memref<32768x1024xf32, #tpu.memory_space<hbm>> -> memref<16x1024xf32, #tpu.memory_space<hbm>>
        %dma_wait3A_283 = arith.constant 0 : i32
        %dma_wait3A_284 = tpu.memref_slice %arg4[%add3A_280, %dma_wait3A_283] : memref<32768x1024xf32, #tpu.memory_space<hbm>> -> memref<16x1024xf32, #tpu.memory_space<hbm>>
        tpu.wait_dma2 semaphore(%arg24 : memref<!tpu.dma_semaphore, #tpu.memory_space<semaphore_mem>>) src(%arg10 : memref<16x1024xf32, #tpu.memory_space<vmem>>) dst(%dma_wait3A_284 : memref<16x1024xf32, #tpu.memory_space<hbm>>)
        %add3A_285 = arith.constant 7 : i32
        %add3A_286 = arith.addi %add3A_252, %add3A_285 : i32
        %dma_start3A_287 = arith.constant 0 : i32
        %dma_start3A_288 = tpu.memref_slice %arg5[%add3A_286, %dma_start3A_287] : memref<64x16xi32, #tpu.memory_space<vmem>> -> memref<1x16xi32, #tpu.memory_space<vmem>>
        %dma_start3A_289 = tpu.memref_squeeze %dma_start3A_288 : memref<1x16xi32, #tpu.memory_space<vmem>> -> memref<16xi32, #tpu.memory_space<vmem>>
        %dma_start3A_290 = arith.constant 0 : i32
        %dma_start3A_291 = arith.constant 0 : i32
        %dma_start3A_292 = tpu.memref_slice %arg3[%dma_start3A_290, %dma_start3A_291] : memref<8192x1024xf32, #tpu.memory_space<hbm>> -> memref<8192x1024xf32, #tpu.memory_space<hbm>>
        tpu.enqueue_indirect_dma source(%dma_start3A_292 : memref<8192x1024xf32, #tpu.memory_space<hbm>>) target(%arg10 : memref<16x1024xf32, #tpu.memory_space<vmem>>) offsets(%dma_start3A_289 : memref<16xi32, #tpu.memory_space<vmem>>) semaphore(%arg17 : memref<!tpu.dma_semaphore, #tpu.memory_space<semaphore_mem>>)
      } else {
      }
      %add3A_260 = arith.constant 5 : i32
      %add3A_261 = arith.addi %mul3A_112, %add3A_260 : i32
      %add3A_262 = arith.constant 7 : i32
      %add3A_263 = arith.addi %add3A_261, %add3A_262 : i32
      %lt3A_264 = arith.constant 64 : i32
      %lt3A_265 = arith.cmpi slt, %add3A_263, %lt3A_264 : i32
      %convert_element_type3A_266 = arith.extui %lt3A_265 : i1 to i32
      %cond3A_267 = arith.constant 0 : i32
      %cond3A_268 = arith.cmpi ne, %convert_element_type3A_266, %cond3A_267 : i32
      scf.if %cond3A_268 {
        %mul3A_278 = arith.constant 16 : i32
        %mul3A_279 = arith.muli %add3A_261, %mul3A_278 : i32
        %add3A_280 = arith.addi %mul3A_2, %mul3A_279 : i32
        %dma_wait3A_281 = arith.constant 0 : i32
        %dma_wait3A_282 = tpu.memref_slice %arg4[%add3A_280, %dma_wait3A_281] : memref<32768x1024xf32, #tpu.memory_space<hbm>> -> memref<16x1024xf32, #tpu.memory_space<hbm>>
        %dma_wait3A_283 = arith.constant 0 : i32
        %dma_wait3A_284 = tpu.memref_slice %arg4[%add3A_280, %dma_wait3A_283] : memref<32768x1024xf32, #tpu.memory_space<hbm>> -> memref<16x1024xf32, #tpu.memory_space<hbm>>
        tpu.wait_dma2 semaphore(%arg25 : memref<!tpu.dma_semaphore, #tpu.memory_space<semaphore_mem>>) src(%arg11 : memref<16x1024xf32, #tpu.memory_space<vmem>>) dst(%dma_wait3A_284 : memref<16x1024xf32, #tpu.memory_space<hbm>>)
        %add3A_285 = arith.constant 7 : i32
        %add3A_286 = arith.addi %add3A_261, %add3A_285 : i32
        %dma_start3A_287 = arith.constant 0 : i32
        %dma_start3A_288 = tpu.memref_slice %arg5[%add3A_286, %dma_start3A_287] : memref<64x16xi32, #tpu.memory_space<vmem>> -> memref<1x16xi32, #tpu.memory_space<vmem>>
        %dma_start3A_289 = tpu.memref_squeeze %dma_start3A_288 : memref<1x16xi32, #tpu.memory_space<vmem>> -> memref<16xi32, #tpu.memory_space<vmem>>
        %dma_start3A_290 = arith.constant 0 : i32
        %dma_start3A_291 = arith.constant 0 : i32
        %dma_start3A_292 = tpu.memref_slice %arg3[%dma_start3A_290, %dma_start3A_291] : memref<8192x1024xf32, #tpu.memory_space<hbm>> -> memref<8192x1024xf32, #tpu.memory_space<hbm>>
        tpu.enqueue_indirect_dma source(%dma_start3A_292 : memref<8192x1024xf32, #tpu.memory_space<hbm>>) target(%arg11 : memref<16x1024xf32, #tpu.memory_space<vmem>>) offsets(%dma_start3A_289 : memref<16xi32, #tpu.memory_space<vmem>>) semaphore(%arg18 : memref<!tpu.dma_semaphore, #tpu.memory_space<semaphore_mem>>)
      } else {
      }
      %add3A_269 = arith.constant 6 : i32
      %add3A_270 = arith.addi %mul3A_112, %add3A_269 : i32
      %add3A_271 = arith.constant 7 : i32
      %add3A_272 = arith.addi %add3A_270, %add3A_271 : i32
      %lt3A_273 = arith.constant 64 : i32
      %lt3A_274 = arith.cmpi slt, %add3A_272, %lt3A_273 : i32
      %convert_element_type3A_275 = arith.extui %lt3A_274 : i1 to i32
      %cond3A_276 = arith.constant 0 : i32
      %cond3A_277 = arith.cmpi ne, %convert_element_type3A_275, %cond3A_276 : i32
      scf.if %cond3A_277 {
        %mul3A_278 = arith.constant 16 : i32
        %mul3A_279 = arith.muli %add3A_270, %mul3A_278 : i32
        %add3A_280 = arith.addi %mul3A_2, %mul3A_279 : i32
        %dma_wait3A_281 = arith.constant 0 : i32
        %dma_wait3A_282 = tpu.memref_slice %arg4[%add3A_280, %dma_wait3A_281] : memref<32768x1024xf32, #tpu.memory_space<hbm>> -> memref<16x1024xf32, #tpu.memory_space<hbm>>
        %dma_wait3A_283 = arith.constant 0 : i32
        %dma_wait3A_284 = tpu.memref_slice %arg4[%add3A_280, %dma_wait3A_283] : memref<32768x1024xf32, #tpu.memory_space<hbm>> -> memref<16x1024xf32, #tpu.memory_space<hbm>>
        tpu.wait_dma2 semaphore(%arg26 : memref<!tpu.dma_semaphore, #tpu.memory_space<semaphore_mem>>) src(%arg12 : memref<16x1024xf32, #tpu.memory_space<vmem>>) dst(%dma_wait3A_284 : memref<16x1024xf32, #tpu.memory_space<hbm>>)
        %add3A_285 = arith.constant 7 : i32
        %add3A_286 = arith.addi %add3A_270, %add3A_285 : i32
        %dma_start3A_287 = arith.constant 0 : i32
        %dma_start3A_288 = tpu.memref_slice %arg5[%add3A_286, %dma_start3A_287] : memref<64x16xi32, #tpu.memory_space<vmem>> -> memref<1x16xi32, #tpu.memory_space<vmem>>
        %dma_start3A_289 = tpu.memref_squeeze %dma_start3A_288 : memref<1x16xi32, #tpu.memory_space<vmem>> -> memref<16xi32, #tpu.memory_space<vmem>>
        %dma_start3A_290 = arith.constant 0 : i32
        %dma_start3A_291 = arith.constant 0 : i32
        %dma_start3A_292 = tpu.memref_slice %arg3[%dma_start3A_290, %dma_start3A_291] : memref<8192x1024xf32, #tpu.memory_space<hbm>> -> memref<8192x1024xf32, #tpu.memory_space<hbm>>
        tpu.enqueue_indirect_dma source(%dma_start3A_292 : memref<8192x1024xf32, #tpu.memory_space<hbm>>) target(%arg12 : memref<16x1024xf32, #tpu.memory_space<vmem>>) offsets(%dma_start3A_289 : memref<16xi32, #tpu.memory_space<vmem>>) semaphore(%arg19 : memref<!tpu.dma_semaphore, #tpu.memory_space<semaphore_mem>>)
      } else {
      }
    }
    %scan3A_55 = arith.constant 9 : i32
    %dma_wait3A = arith.constant 63 : i32
    %dma_wait3A_56 = arith.constant 0 : i32
    %dma_wait3A_57 = tpu.memref_slice %arg5[%dma_wait3A, %dma_wait3A_56] : memref<64x16xi32, #tpu.memory_space<vmem>> -> memref<1x16xi32, #tpu.memory_space<vmem>>
    %dma_wait3A_58 = tpu.memref_squeeze %dma_wait3A_57 : memref<1x16xi32, #tpu.memory_space<vmem>> -> memref<16xi32, #tpu.memory_space<vmem>>
    %dma_wait3A_59 = arith.constant 0 : i32
    %dma_wait3A_60 = arith.constant 0 : i32
    %dma_wait3A_61 = tpu.memref_slice %arg3[%dma_wait3A_59, %dma_wait3A_60] : memref<8192x1024xf32, #tpu.memory_space<hbm>> -> memref<8192x1024xf32, #tpu.memory_space<hbm>>
    tpu.wait_indirect_dma semaphore(%arg13 : memref<!tpu.dma_semaphore, #tpu.memory_space<semaphore_mem>>) src(%dma_wait3A_61 : memref<8192x1024xf32, #tpu.memory_space<hbm>>) dst(%arg6 : memref<16x1024xf32, #tpu.memory_space<vmem>>)
    %add3A_62 = arith.constant 1008 : i32
    %add3A_63 = arith.addi %mul3A_2, %add3A_62 : i32
    %dma_start3A_64 = arith.constant 0 : i32
    %dma_start3A_65 = tpu.memref_slice %arg4[%add3A_63, %dma_start3A_64] : memref<32768x1024xf32, #tpu.memory_space<hbm>> -> memref<16x1024xf32, #tpu.memory_space<hbm>>
    %dma_start3A_66 = arith.constant 0 : i32
    %dma_start3A_67 = tpu.memref_slice %arg4[%add3A_63, %dma_start3A_66] : memref<32768x1024xf32, #tpu.memory_space<hbm>> -> memref<16x1024xf32, #tpu.memory_space<hbm>>
    tpu.enqueue_dma source(%arg6 : memref<16x1024xf32, #tpu.memory_space<vmem>>) target(%dma_start3A_67 : memref<16x1024xf32, #tpu.memory_space<hbm>>) target_semaphore(%arg20 : memref<!tpu.dma_semaphore, #tpu.memory_space<semaphore_mem>>)
    %add3A_68 = arith.constant 912 : i32
    %add3A_69 = arith.addi %mul3A_2, %add3A_68 : i32
    %dma_wait3A_70 = arith.constant 0 : i32
    %dma_wait3A_71 = tpu.memref_slice %arg4[%add3A_69, %dma_wait3A_70] : memref<32768x1024xf32, #tpu.memory_space<hbm>> -> memref<16x1024xf32, #tpu.memory_space<hbm>>
    %dma_wait3A_72 = arith.constant 0 : i32
    %dma_wait3A_73 = tpu.memref_slice %arg4[%add3A_69, %dma_wait3A_72] : memref<32768x1024xf32, #tpu.memory_space<hbm>> -> memref<16x1024xf32, #tpu.memory_space<hbm>>
    tpu.wait_dma2 semaphore(%arg21 : memref<!tpu.dma_semaphore, #tpu.memory_space<semaphore_mem>>) src(%arg7 : memref<16x1024xf32, #tpu.memory_space<vmem>>) dst(%dma_wait3A_73 : memref<16x1024xf32, #tpu.memory_space<hbm>>)
    %add3A_74 = arith.constant 928 : i32
    %add3A_75 = arith.addi %mul3A_2, %add3A_74 : i32
    %dma_wait3A_76 = arith.constant 0 : i32
    %dma_wait3A_77 = tpu.memref_slice %arg4[%add3A_75, %dma_wait3A_76] : memref<32768x1024xf32, #tpu.memory_space<hbm>> -> memref<16x1024xf32, #tpu.memory_space<hbm>>
    %dma_wait3A_78 = arith.constant 0 : i32
    %dma_wait3A_79 = tpu.memref_slice %arg4[%add3A_75, %dma_wait3A_78] : memref<32768x1024xf32, #tpu.memory_space<hbm>> -> memref<16x1024xf32, #tpu.memory_space<hbm>>
    tpu.wait_dma2 semaphore(%arg22 : memref<!tpu.dma_semaphore, #tpu.memory_space<semaphore_mem>>) src(%arg8 : memref<16x1024xf32, #tpu.memory_space<vmem>>) dst(%dma_wait3A_79 : memref<16x1024xf32, #tpu.memory_space<hbm>>)
    %add3A_80 = arith.constant 944 : i32
    %add3A_81 = arith.addi %mul3A_2, %add3A_80 : i32
    %dma_wait3A_82 = arith.constant 0 : i32
    %dma_wait3A_83 = tpu.memref_slice %arg4[%add3A_81, %dma_wait3A_82] : memref<32768x1024xf32, #tpu.memory_space<hbm>> -> memref<16x1024xf32, #tpu.memory_space<hbm>>
    %dma_wait3A_84 = arith.constant 0 : i32
    %dma_wait3A_85 = tpu.memref_slice %arg4[%add3A_81, %dma_wait3A_84] : memref<32768x1024xf32, #tpu.memory_space<hbm>> -> memref<16x1024xf32, #tpu.memory_space<hbm>>
    tpu.wait_dma2 semaphore(%arg23 : memref<!tpu.dma_semaphore, #tpu.memory_space<semaphore_mem>>) src(%arg9 : memref<16x1024xf32, #tpu.memory_space<vmem>>) dst(%dma_wait3A_85 : memref<16x1024xf32, #tpu.memory_space<hbm>>)
    %add3A_86 = arith.constant 960 : i32
    %add3A_87 = arith.addi %mul3A_2, %add3A_86 : i32
    %dma_wait3A_88 = arith.constant 0 : i32
    %dma_wait3A_89 = tpu.memref_slice %arg4[%add3A_87, %dma_wait3A_88] : memref<32768x1024xf32, #tpu.memory_space<hbm>> -> memref<16x1024xf32, #tpu.memory_space<hbm>>
    %dma_wait3A_90 = arith.constant 0 : i32
    %dma_wait3A_91 = tpu.memref_slice %arg4[%add3A_87, %dma_wait3A_90] : memref<32768x1024xf32, #tpu.memory_space<hbm>> -> memref<16x1024xf32, #tpu.memory_space<hbm>>
    tpu.wait_dma2 semaphore(%arg24 : memref<!tpu.dma_semaphore, #tpu.memory_space<semaphore_mem>>) src(%arg10 : memref<16x1024xf32, #tpu.memory_space<vmem>>) dst(%dma_wait3A_91 : memref<16x1024xf32, #tpu.memory_space<hbm>>)
    %add3A_92 = arith.constant 976 : i32
    %add3A_93 = arith.addi %mul3A_2, %add3A_92 : i32
    %dma_wait3A_94 = arith.constant 0 : i32
    %dma_wait3A_95 = tpu.memref_slice %arg4[%add3A_93, %dma_wait3A_94] : memref<32768x1024xf32, #tpu.memory_space<hbm>> -> memref<16x1024xf32, #tpu.memory_space<hbm>>
    %dma_wait3A_96 = arith.constant 0 : i32
    %dma_wait3A_97 = tpu.memref_slice %arg4[%add3A_93, %dma_wait3A_96] : memref<32768x1024xf32, #tpu.memory_space<hbm>> -> memref<16x1024xf32, #tpu.memory_space<hbm>>
    tpu.wait_dma2 semaphore(%arg25 : memref<!tpu.dma_semaphore, #tpu.memory_space<semaphore_mem>>) src(%arg11 : memref<16x1024xf32, #tpu.memory_space<vmem>>) dst(%dma_wait3A_97 : memref<16x1024xf32, #tpu.memory_space<hbm>>)
    %add3A_98 = arith.constant 992 : i32
    %add3A_99 = arith.addi %mul3A_2, %add3A_98 : i32
    %dma_wait3A_100 = arith.constant 0 : i32
    %dma_wait3A_101 = tpu.memref_slice %arg4[%add3A_99, %dma_wait3A_100] : memref<32768x1024xf32, #tpu.memory_space<hbm>> -> memref<16x1024xf32, #tpu.memory_space<hbm>>
    %dma_wait3A_102 = arith.constant 0 : i32
    %dma_wait3A_103 = tpu.memref_slice %arg4[%add3A_99, %dma_wait3A_102] : memref<32768x1024xf32, #tpu.memory_space<hbm>> -> memref<16x1024xf32, #tpu.memory_space<hbm>>
    tpu.wait_dma2 semaphore(%arg26 : memref<!tpu.dma_semaphore, #tpu.memory_space<semaphore_mem>>) src(%arg12 : memref<16x1024xf32, #tpu.memory_space<vmem>>) dst(%dma_wait3A_103 : memref<16x1024xf32, #tpu.memory_space<hbm>>)
    %add3A_104 = arith.constant 1008 : i32
    %add3A_105 = arith.addi %mul3A_2, %add3A_104 : i32
    %dma_wait3A_106 = arith.constant 0 : i32
    %dma_wait3A_107 = tpu.memref_slice %arg4[%add3A_105, %dma_wait3A_106] : memref<32768x1024xf32, #tpu.memory_space<hbm>> -> memref<16x1024xf32, #tpu.memory_space<hbm>>
    %dma_wait3A_108 = arith.constant 0 : i32
    %dma_wait3A_109 = tpu.memref_slice %arg4[%add3A_105, %dma_wait3A_108] : memref<32768x1024xf32, #tpu.memory_space<hbm>> -> memref<16x1024xf32, #tpu.memory_space<hbm>>
    tpu.wait_dma2 semaphore(%arg20 : memref<!tpu.dma_semaphore, #tpu.memory_space<semaphore_mem>>) src(%arg6 : memref<16x1024xf32, #tpu.memory_space<vmem>>) dst(%dma_wait3A_109 : memref<16x1024xf32, #tpu.memory_space<hbm>>)
    return
  }
}

</mosaic_0001>

<sc_bundles>
// kernel: _sc_gather.3.cloned.1.call-start
scs
__scs_entry_jumppad:
0x0: {  	(pc) =	sbr.rel $0x88, $3  }
0x1: {  	(tag) =	ssettag $0x0;
	lr =	simm.s32 $0x1  }
0x2: {  	[smem:$0x3F9F] =	sst lr;
	_ =	strace $0xD0000000  }
0x3: {  	_ = 	snop  }
0x4: {  	_ = 	snop  }
0x5: {  	_ = 	snop  }
0x6: {  	_ = 	snop  }
0x7: {  	_ = 	snop  }
__scs_overlays_trampoline_lowered:
0x8: {  	[smem:$0x3FAE] =	sst s0  }
0x9: {  	[smem:$0x3FAF] =	sst s1  }
0xa: {  	[smem:$0x3FB0] =	sst s2  }
0xb: {  	[smem:$0x3FB1] =	sst s3  }
0xc: {  	[smem:$0x3FB2] =	sst s4  }
0xd: {  	[smem:$0x3FB3] =	sst s5  }
0xe: {  	[smem:$0x3FB4] =	sst s6  }
0xf: {  	[smem:$0x3FB5] =	sst s7  }
0x10: {  	[smem:$0x3FB6] =	sst s8  }
0x11: {  	[smem:$0x3FB7] =	sst s9;
	s0 =	simm.s32 @!p0 $0x0  }
0x12: {  	s1 =	sld [smem:$0x3F9D];
	s0 =	simm.s32 @p0 $0x1  }
0x13: {  	[smem:$0x3FB8] =	sst s0;
	s0 =	simm.s32 @!p1 $0x0  }
0x14: {  	s2 =	sld [smem:$0x3F9C];
	s0 =	simm.s32 @p1 $0x1  }
0x15: {  	[smem:$0x3FB9] =	sst s0;
	s0 =	simm.s32 @!p2 $0x0  }
0x16: {  	s3 =	sld [smem:$0x3FDB];
	s0 =	simm.s32 @p2 $0x1  }
0x17: {  	s4 =	simm.s32 $0x1BF5;
	[smem:$0x3FBB] =	sst s0  }
0x18: {  	s0 =	sld [smem:$0x3F9E];
	_ =	swait.ge [sflag:s4], $0x0  }
0x19: {  	s7 =	sld [smem:$0x3F9F]  }
0x1a: {  	s8 =	sadd.s32 $0xFFFFE003, lr  }
0x1b: {  	s9 =	sadd.s32 $0xFFFFFEF7, lr;
	s5 =	simm.s32 $0xFFFFFFFF;
	p2 =	slt.u32 s8, $0xFFFFF086  }
0x1c: {  	p1 =	slt.u32 s9, $0xF7A;
	s5 =	simm.s32 @!p2 $0x0  }
0x1d: {  	s5 =	simm.s32 @p1 $0x1;
	p0 =	seq.s32 s7, s2  }
0x1e: {  	s7 =	smul.u32 @!p0 $0xF7A, s2;
	p2 =	seq.s32 @!p0 s5, $0x0  }
0x1f: {  	s9 =	smul.u32 $0xF7A, s1;
	s8 =	simm.s32 @!p0 $0x1BF5;
	p2 =	por !p2, p0  }
0x20: {  	[sflag:s8] =	ssyncset.s32 @!p0 $0xFFFFF086;
	s6 =	sadd.s32 @!p0 s3, s7;
	s7 =	simm.s32 @!p0 $0x108  }
0x21: {  	s3 =	sadd.s32 s3, s9;
	s6 =	sadd.s32 @!p0 $0x88, s6;
	s7 =	simm.s32 @p2 $0x1082  }
0x22: {  	[simem:s7], [sflag:s8] =	dma.local @!p0 [hbm:s6], $0xF7A  }
0x23: {  	s9 =	sor.u32 $0xD0000000, s2;
	s6 =	simm.s32 $0x108;
	_ =	swait.ge @!p0 [sflag:s8], $0x0  }
0x24: {  	s3 =	sadd.s32 $0x88, s3;
	s6 =	simm.s32 @!p1 $0x1082;
	[sflag:s4] =	ssyncset.s32 $0xFFFFF086  }
0x25: {  	[simem:s6], [sflag:s4] =	dma.local [hbm:s3], $0xF7A  }
0x26: {  	[smem:$0x3F9F] =	sst s1;
	(tag) =	ssettag s2;
	_ =	strace s9  }
0x27: {  	s1 =	sld [smem:$0x3FAF]  }
0x28: {  	s2 =	sld [smem:$0x3FB0]  }
0x29: {  	s4 =	sld [smem:$0x3FB2]  }
0x2a: {  	p0 =	seq.s32 s5, $0x0;
	s5 =	sld [smem:$0x3FB3]  }
0x2b: {  	s6 =	sld [smem:$0x3FB4]  }
0x2c: {  	s7 =	sld [smem:$0x3FB5]  }
0x2d: {  	s3 =	simm.s32 $0x108;
	s8 =	sld [smem:$0x3FB6]  }
0x2e: {  	s3 =	simm.s32 @!p0 $0x1082;
	s9 =	sld [smem:$0x3FB7]  }
0x2f: {  	lr =	sadd.s32 s0, s3;
	s0 =	sld [smem:$0x3FAE]  }
0x30: {  	s3 =	sld [smem:$0x3FB1]  }
0x31: {  	[smem:$0x3FBA] =	sst s10  }
0x32: {  	s10 =	sld [smem:$0x3FB8];
	_ =	sdelay $0x3  }
0x33: {  	p0 =	seq.s32 s10, $0x1;
	s10 =	sld [smem:$0x3FBA];
	_ =	sdelay $0x3  }
0x34: {  	[smem:$0x3FBA] =	sst s10  }
0x35: {  	s10 =	sld [smem:$0x3FB9];
	_ =	sdelay $0x3  }
0x36: {  	p1 =	seq.s32 s10, $0x1;
	s10 =	sld [smem:$0x3FBA];
	_ =	sdelay $0x3  }
0x37: {  	[smem:$0x3FBA] =	sst s10  }
0x38: {  	s10 =	sld [smem:$0x3FBB]  }
0x39: {  	_ = 	snop;
	(pc) =	sbr.ind lr, $3  }
0x3a: {  	_ = 	snop  }
0x3b: {  	_ = 	snop  }
0x3c: {  	p2 =	seq.s32 s10, $0x1;
	s10 =	sld [smem:$0x3FBA]  }
0x3d: {  	_ =	shalt  }
0x3e: {  	_ =	shalt  }
0x3f: {  	_ =	shalt  }
0x40: {  	_ =	shalt  }
0x41: {  	_ =	shalt  }
0x42: {  	_ =	shalt  }
0x43: {  	_ =	shalt  }
0x44: {  	_ =	shalt  }
0x45: {  	_ =	shalt  }
0x46: {  	_ =	shalt  }
0x47: {  	_ =	shalt  }
0x48: {  	_ =	shalt  }
0x49: {  	_ =	shalt  }
0x4a: {  	_ =	shalt  }
0x4b: {  	_ =	shalt  }
0x4c: {  	_ =	shalt  }
0x4d: {  	_ =	shalt  }
0x4e: {  	_ =	shalt  }
0x4f: {  	_ =	shalt  }
0x50: {  	_ =	shalt  }
0x51: {  	_ =	shalt  }
0x52: {  	_ =	shalt  }
0x53: {  	_ =	shalt  }
0x54: {  	_ =	shalt  }
0x55: {  	_ =	shalt  }
0x56: {  	_ =	shalt  }
0x57: {  	_ =	shalt  }
0x58: {  	_ =	shalt  }
0x59: {  	_ =	shalt  }
0x5a: {  	_ =	shalt  }
0x5b: {  	_ =	shalt  }
0x5c: {  	_ =	shalt  }
0x5d: {  	_ =	shalt  }
0x5e: {  	_ =	shalt  }
0x5f: {  	_ =	shalt  }
0x60: {  	_ =	shalt  }
0x61: {  	_ =	shalt  }
0x62: {  	_ =	shalt  }
0x63: {  	_ =	shalt  }
0x64: {  	_ =	shalt  }
0x65: {  	_ =	shalt  }
0x66: {  	_ =	shalt  }
0x67: {  	_ =	shalt  }
0x68: {  	_ =	shalt  }
0x69: {  	_ =	shalt  }
0x6a: {  	_ =	shalt  }
0x6b: {  	_ =	shalt  }
0x6c: {  	_ =	shalt  }
0x6d: {  	_ =	shalt  }
0x6e: {  	_ =	shalt  }
0x6f: {  	_ =	shalt  }
0x70: {  	_ =	shalt  }
0x71: {  	_ =	shalt  }
0x72: {  	_ =	shalt  }
0x73: {  	_ =	shalt  }
0x74: {  	_ =	shalt  }
0x75: {  	_ =	shalt  }
0x76: {  	_ =	shalt  }
0x77: {  	_ =	shalt  }
0x78: {  	_ =	shalt  }
0x79: {  	_ =	shalt  }
0x7a: {  	_ =	shalt  }
0x7b: {  	_ =	shalt  }
0x7c: {  	_ =	shalt  }
0x7d: {  	_ =	shalt  }
0x7e: {  	_ =	shalt  }
0x7f: {  	_ =	shalt  }
0x80: {  	_ =	shalt  }
0x81: {  	_ =	shalt  }
0x82: {  	_ =	shalt  }
0x83: {  	_ =	shalt  }
0x84: {  	_ =	shalt  }
0x85: {  	_ =	shalt  }
0x86: {  	_ =	shalt  }
0x87: {  	_ =	shalt  }
.Lfunc_end0:
.L_simem_size_0:
called_computation_lowered:
.L_overlay_start_0:
0x88: {  	s2 =	sld [smem:$0x3FD9]  }
0x89: {  	s3 =	sld [smem:$0x3FFE];
	_ =	sdelay $0x1  }
0x8a: {  	s1 =	srdreg.scid  }
0x8b: {  	s0 =	sand.u32 $0x1, s1  }
0x8c: {  	s17 =	sshll.u32 s0, $0xA;
	s2 =	sadd.s32 s3, s2  }
0x8d: {  	s2 =	sadd.s32 s2, s17  }
0x8e: {  	[smem:$0x3FC6] =	sst s2  }
0x8f: {  	_ = 	snop  }
0x90: {  	s2 =	sld [smem:$0x3FC8]  }
0x91: {  	s18 =	sld [smem:$0x3FD0];
	(tm) =	ssettm $0x1  }
0x92: {  	s4 =	sld [smem:$0x3FFB];
	_ =	sdelay $0x3  }
0x93: {  	_ =	strace s4  }
0x94: {  	s4 =	sld [smem:$0x3FFC];
	_ =	sdelay $0x3  }
0x95: {  	_ =	strace s4  }
0x96: {  	s4 =	sld [smem:$0x3FFD];
	_ =	sdelay $0x3  }
0x97: {  	_ =	strace s4  }
0x98: {  	_ =	strace $0x8FFFFFFF  }
0x99: {  	s19 =	sld [smem:$0x3FDB];
	_ =	sdelay $0x1  }
0x9a: {  	s5 =	simm.s32 $_scs_section_size  }
0x9b: {  	s6 =	simm.s32 $_size__tile_overlayer_lowered;
	s7 =	simm.s32 $_tile_overlayer_lowered  }
0x9c: {  	s22 =	simm.s32 $0x1BFF;
	s21 =	sshll.u32 s7, $0x1;
	s4 =	sadd.s32 s5, s19  }
0x9d: {  	s8 =	simm.s32 $0x0;
	s20 =	sshll.u32 s6, $0x1;
	s6 =	sadd.s32 s21, s4  }
0x9e: {  	[timem:s8], [sflag:s22] =	dma.local [hbm:s6], s20  }
0x9f: {  	_ =	swait.ge [sflag:s22], s20  }
0xa0: {  	s5 =	ssub.s32 $0x0, s20;
	[sflag:s22] =	ssyncset.done $0x0  }
0xa1: {  	[sflag:s22] =	ssyncadd.s32 s5;
	_ =	sdelay $0x1  }
0xa2: {  	s23 =	simm.s32 $0x1B8B  }
0xa3: {  	_ =	swait.ge [sflag:s23], $0x1  }
0xa4: {  	[sflag:s23] =	ssyncset.done $0x0  }
0xa5: {  	s25 =	simm.s32 $0x1B8E;
	s24 =	sld [smem:$0x3FFE];
	[sflag:s23] =	ssyncadd.s32 $0xFFFFFFFF  }
0xa6: {  	s26 =	simm.s32 $execute0_lowered;
	[smem:$0x3FD2] =	sst s25  }
0xa7: {  	s6 =	sshll.u32 s26, $0x1;
	_ =	strace $0x80000046;
	[dreg:$0x1] =	wrdreg $0xFFFFFFFF  }
0xa8: {  	s28 =	simm.s32 $_size_execute0_lowered;
	s4 =	sadd.s32 s4, s6;
	[dreg:$0x0] =	wrdreg $0x0  }
0xa9: {  	s6 =	sshll.u32 s28, $0x1;
	[dreg:$0x2] =	wrdreg s4  }
0xaa: {  	[dreg:$0x3] =	wrdreg s6  }
0xab: {  	[dreg:$0x4] =	wrdreg $0xC0  }
0xac: {  	_ =	task [dreg:s8], $0x5FFFF  }
0xad: {  	[dreg:$0x1] =	wrdreg $0xFFFFFFFF  }
0xae: {  	[dreg:$0x0] =	wrdreg $0x60  }
0xaf: {  	[dreg:$0x2] =	wrdreg s24  }
0xb0: {  	[dreg:$0x3] =	wrdreg s2  }
0xb1: {  	[dreg:$0x4] =	wrdreg s18  }
0xb2: {  	[dreg:$0x5] =	wrdreg $0x9  }
0xb3: {  	_ =	task.clear_ibuf [dreg:s8], $0x6FFFF;
	_ =	strace $0x90000046  }
0xb4: {  	s29 =	simm.s32 $0x9;
	_ =	strace $0x80000048  }
0xb5: {  	_ =	swait.ge [sflag:s29], $0x1  }
0xb6: {  	[sflag:s29] =	ssyncadd.s32 $0xFFFFFFFF  }
0xb7: {  	_ =	strace $0x90000048  }
0xb8: {  	_ =	sfence  }
0xb9: {  	s30 =	sld [smem:$0x0];
	_ =	sdelay $0x2  }
0xba: {  	s31 =	sshll.u32 s1, $0xD;
	s1 =	sshrl.u32 s1, $0x2  }
0xbb: {  	s3 =	sand.u32 $0x4000, s31;
	s1 =	sadd.s32 s1, s30  }
0xbc: {  	s0 =	sor.u32 s3, s0;
	s1 =	sshll.u32 s1, $0x11  }
0xbd: {  	s0 =	sor.u32 s1, s0  }
0xbe: {  	s0 =	sadd.s32 $0x8F2B, s0  }
0xbf: {  	[sflag:s0] =	ssyncadd.remote.s32 $0x1  }
0xc0: {  	_ =	sfence.sel $0xFFFF  }
0xc1: {  	[dreg:$0x0] =	wrdreg $0xFFFFFFFF;
	(pc) =	sbr.abs _section_cstart, $3  }
0xc2: {  	[dreg:$0x1] =	wrdreg $0xFFFFFFFF  }
0xc3: {  	_ =	task.clear_ibuf [dreg:s8], $0x2FFFF;
	_ =	strace $0x9FFFFFFF  }
0xc4: {  	(tm) =	ssettm $0x7FFFFFFF  }
0xc5: {  	_ =	shalt  }
tec
execute0_lowered:
.L_overlay_start_1:
0x0: {  	(tag) =	ssettag $0x1  }
0x1: {  	s0 =	rddreg [dreg:$0x0]  }
0x2: {  	s2 =	rddreg [dreg:$0x1]  }
0x3: {  	s1 =	rddreg [dreg:$0x2]  }
0x4: {  	s3 =	srdreg.scid;
	s10 =	stileid.u32;
	s12 =	simm.s32 $0x2000  }
0x5: {  	s20 =	simm.s32 $0x6000;
	s29 =	simm.s32 $0xA000;
	s11 =	simm.s32 $0xE000  }
0x6: {  	s28 =	simm.s32 $0x12000;
	s18 =	simm.s32 $0x16000;
	s23 =	simm.s32 $0x1A000  }
0x7: {  	s16 =	simm.s32 $0x1;
	s31 =	simm.s32 $0x2;
	s17 =	simm.s32 $0x3  }
0x8: {  	s19 =	simm.s32 $0x6;
	s21 =	simm.s32 $0xA;
	s22 =	simm.s32 $0xB  }
0x9: {  	s14 =	simm.s32 $0x0;
	s4 =	sand.u32 $0x1, s3;
	s5 =	sshll.u32 s10, $0x1  }
0xa: {  	s3 =	simm.s32 $0x0;
	s26 =	sshll.u32 s10, $0x12;
	s8 =	sor.u32 s4, s5  }
0xb: {  	s24 =	ssub.s32 $0x2, s4;
	[smem:$0x7FF] =	sst s3;
	s5 =	sadd.s32 $0x100, s2  }
0xc: {  	s4 =	sshll.u32 s4, $0x11;
	s6 =	sshll.u32 s8, $0xA;
	s7 =	sshrl.u32 s24, $0x1  }
0xd: {  	_ =	strace $0x80000047;
	s25 =	sshll.u32 s8, $0x11;
	s8 =	simm.s32 $0x8  }
0xe: {  	s0 =	sadd.s32 s6, s0;
	s9 =	ssub.s32 s24, s7;
	s6 =	sadd.s32 $0x200, s2  }
0xf: {  	s7 =	sadd.s32 $0x300, s2;
	s24 =	simm.s32 $0xC;
	s0 =	sadd.s32 $0x400, s0  }
.Ltmp0:
0x10: {  	s30 =	smax.u32 s9, $0x1;
	s9 =	simm.s32 $0x9;
	(pc) =	sbr.rel .LBB2_1-.Ltmp0, $4  }
0x11: {  	[dreg:$0x4] =	wrdreg s0;
	s0 =	sadd.s32 s25, s1;
	s1 =	sadd.s32 s26, s1  }
0x12: {  	v2 =	vlaneseq.u32;
	[dreg:$0x6] =	wrdreg s30;
	s25 =	simm.s32 $0xD;
	s26 =	simm.s32 $0xE  }
0x13: {  	vm0 =	vmmov $0xffff;
	v1 =	vshrl.u32 v2, $0x3;
	s0 =	sadd.s32 $0x1F800, s0;
	s10 =	sadd.s32 s4, s1;
	s1 =	simm.s32 $0x5  }
0x14: {  	v0 =	vand.u32 $0x7, v2;
	v2 =	vor.u32 $0x8, v2;
	v1 =	vmul.u32 $0x8, v1;
	s4 =	simm.s32 $0x7;
	[dreg:$0x5] =	wrdreg s0;
	s0 =	simm.s32 $0x4  }
.LBB2_4:
0x15: {  	_ =	swait.ge [sflag:s16], $0x4000  }
0x16: {  	[sflag:s16] =	ssyncset.done $0x0  }
0x17: {  	s13 =	rddreg [dreg:$0x5];
	[sflag:s16] =	ssyncadd.s32 $0xFFFFC000  }
0x18: {  	[hbm4b:s13+s3] =	stream.linear.scatter [tilespmem:s12], [sflag:$0x8], $0x4000, $0x38;
	[tilespmem:$0x1E000] =	vst v63  }
0x19: {  	_ =	swait.ge [sflag:s9], $0x4000  }
0x1a: {  	[sflag:s9] =	ssyncset.done $0x0  }
0x1b: {  	[sflag:s9] =	ssyncadd.s32 $0xFFFFC000  }
0x1c: {  	_ =	swait.ge [sflag:s21], $0x4000  }
0x1d: {  	[sflag:s21] =	ssyncset.done $0x0  }
0x1e: {  	[sflag:s21] =	ssyncadd.s32 $0xFFFFC000  }
0x1f: {  	_ =	swait.ge [sflag:s22], $0x4000  }
0x20: {  	[sflag:s22] =	ssyncset.done $0x0  }
0x21: {  	[sflag:s22] =	ssyncadd.s32 $0xFFFFC000  }
0x22: {  	_ =	swait.ge [sflag:s24], $0x4000  }
0x23: {  	[sflag:s24] =	ssyncset.done $0x0  }
0x24: {  	[sflag:s24] =	ssyncadd.s32 $0xFFFFC000  }
0x25: {  	_ =	swait.ge [sflag:s25], $0x4000  }
0x26: {  	[sflag:s25] =	ssyncset.done $0x0  }
0x27: {  	[sflag:s25] =	ssyncadd.s32 $0xFFFFC000  }
0x28: {  	_ =	swait.ge [sflag:s26], $0x4000  }
0x29: {  	[sflag:s26] =	ssyncset.done $0x0  }
0x2a: {  	[sflag:s26] =	ssyncadd.s32 $0xFFFFC000  }
0x2b: {  	_ =	swait.ge [sflag:s8], $0x4000  }
0x2c: {  	s14 =	rddreg [dreg:$0x7]  }
0x2d: {  	s30 =	rddreg [dreg:$0x6];
	s14 =	sadd.s32 $0x1, s14  }
0x2e: {  	p0 =	sne.s32 s14, s30  }
.Ltmp1:
0x2f: {  	_ = 	snop;
	(pc) =	sbr.rel @!p0 .LBB2_5-.Ltmp1, $3  }
0x30: {  	_ =	sdelay $0x1  }
0x31: {  	[sflag:s8] =	ssyncset.done $0x0  }
0x32: {  	[sflag:s8] =	ssyncadd.s32 $0xFFFFC000  }
.LBB2_1:
0x33: {  	[dreg:$0x7] =	wrdreg s14  }
0x34: {  	s13 =	rddreg [dreg:$0x4];
	s15 =	simm.s32 $0xF  }
0x35: {  	[tilespmem:s3], [sflag:$0xF] =	stream.linear.gather [hbm4b:s13+s3], $0x2000, $0x38;
	[tilespmem:$0x1E000] =	vst v63  }
0x36: {  	_ =	swait.ge [sflag:s15], $0x2000  }
0x37: {  	[sflag:s15] =	ssyncset.done $0x0  }
0x38: {  	[sflag:s15] =	ssyncadd.s32 $0xFFFFE000  }
0x39: {  	v3 =	vld [tilespmem:$0x0];
	_ =	sdelay $0x4  }
0x3a: {  	v4 =	vshll.u32 v3, $0x3  }
0x3b: {  	v3 =	vand.u32 $0x7, v3;
	v4 =	vand.u32 $0xFFFFFFC0, v4  }
0x3c: {  	v3 =	vor.u32 v3, v4  }
0x3d: {  	v4 =	vperm.xlane v3, v0;
	_ =	sdelay $0x1  }
0x3e: {  	v4 =	vadd.s32 v1, v4;
	_ =	sdelay $0x4  }
0x3f: {  	[tilespmem:s12], [sflag:$0x1] =	stream.indirect_vreg.gather [hbm4b:s2+s3], $0x80, v4, vm0, $0xb8;
	[tilespmem:$0x1E000] =	vst v63  }
0x40: {  	s30 =	simm.s32 $0x2800;
	v3 =	vperm.xlane v3, v2  }
0x41: {  	[tilespmem:s30], [sflag:$0x1] =	stream.indirect_vreg.gather [hbm4b:s5+s3], $0x80, v4, vm0, $0xb8;
	[tilespmem:$0x1E000] =	vst v63  }
0x42: {  	s14 =	simm.s32 $0x3000;
	v3 =	vadd.s32 v1, v3  }
0x43: {  	[tilespmem:s14], [sflag:$0x1] =	stream.indirect_vreg.gather [hbm4b:s6+s3], $0x80, v4, vm0, $0xb8;
	[tilespmem:$0x1E000] =	vst v63  }
0x44: {  	s15 =	simm.s32 $0x3800  }
0x45: {  	[tilespmem:s15], [sflag:$0x1] =	stream.indirect_vreg.gather [hbm4b:s7+s3], $0x80, v4, vm0, $0xb8;
	[tilespmem:$0x1E000] =	vst v63  }
0x46: {  	s30 =	simm.s32 $0x4000  }
0x47: {  	[tilespmem:s30], [sflag:$0x1] =	stream.indirect_vreg.gather [hbm4b:s2+s3], $0x80, v3, vm0, $0xb8;
	[tilespmem:$0x1E000] =	vst v63  }
0x48: {  	s14 =	simm.s32 $0x4800  }
0x49: {  	[tilespmem:s14], [sflag:$0x1] =	stream.indirect_vreg.gather [hbm4b:s5+s3], $0x80, v3, vm0, $0xb8;
	[tilespmem:$0x1E000] =	vst v63  }
0x4a: {  	s15 =	simm.s32 $0x5000  }
0x4b: {  	[tilespmem:s15], [sflag:$0x1] =	stream.indirect_vreg.gather [hbm4b:s6+s3], $0x80, v3, vm0, $0xb8;
	[tilespmem:$0x1E000] =	vst v63  }
0x4c: {  	s30 =	simm.s32 $0x5800  }
0x4d: {  	[tilespmem:s30], [sflag:$0x1] =	stream.indirect_vreg.gather [hbm4b:s7+s3], $0x80, v3, vm0, $0xb8;
	[tilespmem:$0x1E000] =	vst v63  }
0x4e: {  	v3 =	vld [tilespmem:$0x80];
	_ =	sdelay $0x4  }
0x4f: {  	v58 =	vshll.u32 v3, $0x3  }
0x50: {  	v3 =	vand.u32 $0x7, v3;
	v4 =	vand.u32 $0xFFFFFFC0, v58  }
0x51: {  	v3 =	vor.u32 v3, v4  }
0x52: {  	v4 =	vperm.xlane v3, v0;
	_ =	sdelay $0x1  }
0x53: {  	v4 =	vadd.s32 v1, v4;
	_ =	sdelay $0x4  }
0x54: {  	[tilespmem:s20], [sflag:$0x2] =	stream.indirect_vreg.gather [hbm4b:s2+s3], $0x80, v4, vm0, $0xb8;
	[tilespmem:$0x1E000] =	vst v63  }
0x55: {  	s14 =	simm.s32 $0x6800;
	v3 =	vperm.xlane v3, v2  }
0x56: {  	[tilespmem:s14], [sflag:$0x2] =	stream.indirect_vreg.gather [hbm4b:s5+s3], $0x80, v4, vm0, $0xb8;
	[tilespmem:$0x1E000] =	vst v63  }
0x57: {  	s15 =	simm.s32 $0x7000;
	v3 =	vadd.s32 v1, v3  }
0x58: {  	[tilespmem:s15], [sflag:$0x2] =	stream.indirect_vreg.gather [hbm4b:s6+s3], $0x80, v4, vm0, $0xb8;
	[tilespmem:$0x1E000] =	vst v63  }
0x59: {  	s30 =	simm.s32 $0x7800  }
0x5a: {  	[tilespmem:s30], [sflag:$0x2] =	stream.indirect_vreg.gather [hbm4b:s7+s3], $0x80, v4, vm0, $0xb8;
	[tilespmem:$0x1E000] =	vst v63  }
0x5b: {  	s14 =	simm.s32 $0x8000  }
0x5c: {  	[tilespmem:s14], [sflag:$0x2] =	stream.indirect_vreg.gather [hbm4b:s2+s3], $0x80, v3, vm0, $0xb8;
	[tilespmem:$0x1E000] =	vst v63  }
0x5d: {  	s15 =	simm.s32 $0x8800  }
0x5e: {  	[tilespmem:s15], [sflag:$0x2] =	stream.indirect_vreg.gather [hbm4b:s5+s3], $0x80, v3, vm0, $0xb8;
	[tilespmem:$0x1E000] =	vst v63  }
0x5f: {  	s30 =	simm.s32 $0x9000  }
0x60: {  	[tilespmem:s30], [sflag:$0x2] =	stream.indirect_vreg.gather [hbm4b:s6+s3], $0x80, v3, vm0, $0xb8;
	[tilespmem:$0x1E000] =	vst v63  }
0x61: {  	s14 =	simm.s32 $0x9800  }
0x62: {  	[tilespmem:s14], [sflag:$0x2] =	stream.indirect_vreg.gather [hbm4b:s7+s3], $0x80, v3, vm0, $0xb8;
	[tilespmem:$0x1E000] =	vst v63  }
0x63: {  	v3 =	vld [tilespmem:$0x100];
	_ =	sdelay $0x4  }
0x64: {  	v59 =	vshll.u32 v3, $0x3  }
0x65: {  	v3 =	vand.u32 $0x7, v3;
	v4 =	vand.u32 $0xFFFFFFC0, v59  }
0x66: {  	v3 =	vor.u32 v3, v4  }
0x67: {  	v4 =	vperm.xlane v3, v0;
	_ =	sdelay $0x1  }
0x68: {  	v4 =	vadd.s32 v1, v4;
	_ =	sdelay $0x4  }
0x69: {  	[tilespmem:s29], [sflag:$0x3] =	stream.indirect_vreg.gather [hbm4b:s2+s3], $0x80, v4, vm0, $0xb8;
	[tilespmem:$0x1E000] =	vst v63  }
0x6a: {  	s15 =	simm.s32 $0xA800;
	v3 =	vperm.xlane v3, v2  }
0x6b: {  	[tilespmem:s15], [sflag:$0x3] =	stream.indirect_vreg.gather [hbm4b:s5+s3], $0x80, v4, vm0, $0xb8;
	[tilespmem:$0x1E000] =	vst v63  }
0x6c: {  	s30 =	simm.s32 $0xB000;
	v3 =	vadd.s32 v1, v3  }
0x6d: {  	[tilespmem:s30], [sflag:$0x3] =	stream.indirect_vreg.gather [hbm4b:s6+s3], $0x80, v4, vm0, $0xb8;
	[tilespmem:$0x1E000] =	vst v63  }
0x6e: {  	s14 =	simm.s32 $0xB800  }
0x6f: {  	[tilespmem:s14], [sflag:$0x3] =	stream.indirect_vreg.gather [hbm4b:s7+s3], $0x80, v4, vm0, $0xb8;
	[tilespmem:$0x1E000] =	vst v63  }
0x70: {  	s15 =	simm.s32 $0xC000  }
0x71: {  	[tilespmem:s15], [sflag:$0x3] =	stream.indirect_vreg.gather [hbm4b:s2+s3], $0x80, v3, vm0, $0xb8;
	[tilespmem:$0x1E000] =	vst v63  }
0x72: {  	s30 =	simm.s32 $0xC800  }
0x73: {  	[tilespmem:s30], [sflag:$0x3] =	stream.indirect_vreg.gather [hbm4b:s5+s3], $0x80, v3, vm0, $0xb8;
	[tilespmem:$0x1E000] =	vst v63  }
0x74: {  	s14 =	simm.s32 $0xD000  }
0x75: {  	[tilespmem:s14], [sflag:$0x3] =	stream.indirect_vreg.gather [hbm4b:s6+s3], $0x80, v3, vm0, $0xb8;
	[tilespmem:$0x1E000] =	vst v63  }
0x76: {  	s15 =	simm.s32 $0xD800  }
0x77: {  	[tilespmem:s15], [sflag:$0x3] =	stream.indirect_vreg.gather [hbm4b:s7+s3], $0x80, v3, vm0, $0xb8;
	[tilespmem:$0x1E000] =	vst v63  }
0x78: {  	v3 =	vld [tilespmem:$0x180];
	_ =	sdelay $0x4  }
0x79: {  	v60 =	vshll.u32 v3, $0x3  }
0x7a: {  	v3 =	vand.u32 $0x7, v3;
	v4 =	vand.u32 $0xFFFFFFC0, v60  }
0x7b: {  	v3 =	vor.u32 v3, v4  }
0x7c: {  	v4 =	vperm.xlane v3, v0;
	_ =	sdelay $0x1  }
0x7d: {  	v4 =	vadd.s32 v1, v4;
	_ =	sdelay $0x4  }
0x7e: {  	[tilespmem:s11], [sflag:$0x4] =	stream.indirect_vreg.gather [hbm4b:s2+s3], $0x80, v4, vm0, $0xb8;
	[tilespmem:$0x1E000] =	vst v63  }
0x7f: {  	s30 =	simm.s32 $0xE800;
	v3 =	vperm.xlane v3, v2  }
0x80: {  	[tilespmem:s30], [sflag:$0x4] =	stream.indirect_vreg.gather [hbm4b:s5+s3], $0x80, v4, vm0, $0xb8;
	[tilespmem:$0x1E000] =	vst v63  }
0x81: {  	s14 =	simm.s32 $0xF000;
	v3 =	vadd.s32 v1, v3  }
0x82: {  	[tilespmem:s14], [sflag:$0x4] =	stream.indirect_vreg.gather [hbm4b:s6+s3], $0x80, v4, vm0, $0xb8;
	[tilespmem:$0x1E000] =	vst v63  }
0x83: {  	s15 =	simm.s32 $0xF800  }
0x84: {  	[tilespmem:s15], [sflag:$0x4] =	stream.indirect_vreg.gather [hbm4b:s7+s3], $0x80, v4, vm0, $0xb8;
	[tilespmem:$0x1E000] =	vst v63  }
0x85: {  	s30 =	simm.s32 $0x10000  }
0x86: {  	[tilespmem:s30], [sflag:$0x4] =	stream.indirect_vreg.gather [hbm4b:s2+s3], $0x80, v3, vm0, $0xb8;
	[tilespmem:$0x1E000] =	vst v63  }
0x87: {  	s14 =	simm.s32 $0x10800  }
0x88: {  	[tilespmem:s14], [sflag:$0x4] =	stream.indirect_vreg.gather [hbm4b:s5+s3], $0x80, v3, vm0, $0xb8;
	[tilespmem:$0x1E000] =	vst v63  }
0x89: {  	s15 =	simm.s32 $0x11000  }
0x8a: {  	[tilespmem:s15], [sflag:$0x4] =	stream.indirect_vreg.gather [hbm4b:s6+s3], $0x80, v3, vm0, $0xb8;
	[tilespmem:$0x1E000] =	vst v63  }
0x8b: {  	s30 =	simm.s32 $0x11800  }
0x8c: {  	[tilespmem:s30], [sflag:$0x4] =	stream.indirect_vreg.gather [hbm4b:s7+s3], $0x80, v3, vm0, $0xb8;
	[tilespmem:$0x1E000] =	vst v63  }
0x8d: {  	v3 =	vld [tilespmem:$0x200];
	_ =	sdelay $0x4  }
0x8e: {  	v61 =	vshll.u32 v3, $0x3  }
0x8f: {  	v3 =	vand.u32 $0x7, v3;
	v4 =	vand.u32 $0xFFFFFFC0, v61  }
0x90: {  	v3 =	vor.u32 v3, v4  }
0x91: {  	v4 =	vperm.xlane v3, v0;
	_ =	sdelay $0x1  }
0x92: {  	v4 =	vadd.s32 v1, v4;
	_ =	sdelay $0x4  }
0x93: {  	[tilespmem:s28], [sflag:$0x5] =	stream.indirect_vreg.gather [hbm4b:s2+s3], $0x80, v4, vm0, $0xb8;
	[tilespmem:$0x1E000] =	vst v63  }
0x94: {  	s14 =	simm.s32 $0x12800;
	v3 =	vperm.xlane v3, v2  }
0x95: {  	[tilespmem:s14], [sflag:$0x5] =	stream.indirect_vreg.gather [hbm4b:s5+s3], $0x80, v4, vm0, $0xb8;
	[tilespmem:$0x1E000] =	vst v63  }
0x96: {  	s15 =	simm.s32 $0x13000;
	v3 =	vadd.s32 v1, v3  }
0x97: {  	[tilespmem:s15], [sflag:$0x5] =	stream.indirect_vreg.gather [hbm4b:s6+s3], $0x80, v4, vm0, $0xb8;
	[tilespmem:$0x1E000] =	vst v63  }
0x98: {  	s30 =	simm.s32 $0x13800  }
0x99: {  	[tilespmem:s30], [sflag:$0x5] =	stream.indirect_vreg.gather [hbm4b:s7+s3], $0x80, v4, vm0, $0xb8;
	[tilespmem:$0x1E000] =	vst v63  }
0x9a: {  	s14 =	simm.s32 $0x14000  }
0x9b: {  	[tilespmem:s14], [sflag:$0x5] =	stream.indirect_vreg.gather [hbm4b:s2+s3], $0x80, v3, vm0, $0xb8;
	[tilespmem:$0x1E000] =	vst v63  }
0x9c: {  	s15 =	simm.s32 $0x14800  }
0x9d: {  	[tilespmem:s15], [sflag:$0x5] =	stream.indirect_vreg.gather [hbm4b:s5+s3], $0x80, v3, vm0, $0xb8;
	[tilespmem:$0x1E000] =	vst v63  }
0x9e: {  	s30 =	simm.s32 $0x15000  }
0x9f: {  	[tilespmem:s30], [sflag:$0x5] =	stream.indirect_vreg.gather [hbm4b:s6+s3], $0x80, v3, vm0, $0xb8;
	[tilespmem:$0x1E000] =	vst v63  }
0xa0: {  	s14 =	simm.s32 $0x15800  }
0xa1: {  	[tilespmem:s14], [sflag:$0x5] =	stream.indirect_vreg.gather [hbm4b:s7+s3], $0x80, v3, vm0, $0xb8;
	[tilespmem:$0x1E000] =	vst v63  }
0xa2: {  	v3 =	vld [tilespmem:$0x280];
	_ =	sdelay $0x4  }
0xa3: {  	v62 =	vshll.u32 v3, $0x3  }
0xa4: {  	v3 =	vand.u32 $0x7, v3;
	v4 =	vand.u32 $0xFFFFFFC0, v62  }
0xa5: {  	v3 =	vor.u32 v3, v4  }
0xa6: {  	v4 =	vperm.xlane v3, v0;
	_ =	sdelay $0x1  }
0xa7: {  	v4 =	vadd.s32 v1, v4;
	_ =	sdelay $0x4  }
0xa8: {  	[tilespmem:s18], [sflag:$0x6] =	stream.indirect_vreg.gather [hbm4b:s2+s3], $0x80, v4, vm0, $0xb8;
	[tilespmem:$0x1E000] =	vst v63  }
0xa9: {  	s15 =	simm.s32 $0x16800;
	v3 =	vperm.xlane v3, v2  }
0xaa: {  	[tilespmem:s15], [sflag:$0x6] =	stream.indirect_vreg.gather [hbm4b:s5+s3], $0x80, v4, vm0, $0xb8;
	[tilespmem:$0x1E000] =	vst v63  }
0xab: {  	s30 =	simm.s32 $0x17000;
	v3 =	vadd.s32 v1, v3  }
0xac: {  	[tilespmem:s30], [sflag:$0x6] =	stream.indirect_vreg.gather [hbm4b:s6+s3], $0x80, v4, vm0, $0xb8;
	[tilespmem:$0x1E000] =	vst v63  }
0xad: {  	s14 =	simm.s32 $0x17800  }
0xae: {  	[tilespmem:s14], [sflag:$0x6] =	stream.indirect_vreg.gather [hbm4b:s7+s3], $0x80, v4, vm0, $0xb8;
	[tilespmem:$0x1E000] =	vst v63  }
0xaf: {  	s15 =	simm.s32 $0x18000  }
0xb0: {  	[tilespmem:s15], [sflag:$0x6] =	stream.indirect_vreg.gather [hbm4b:s2+s3], $0x80, v3, vm0, $0xb8;
	[tilespmem:$0x1E000] =	vst v63  }
0xb1: {  	s30 =	simm.s32 $0x18800  }
0xb2: {  	[tilespmem:s30], [sflag:$0x6] =	stream.indirect_vreg.gather [hbm4b:s5+s3], $0x80, v3, vm0, $0xb8;
	[tilespmem:$0x1E000] =	vst v63  }
0xb3: {  	s14 =	simm.s32 $0x19000  }
0xb4: {  	[tilespmem:s14], [sflag:$0x6] =	stream.indirect_vreg.gather [hbm4b:s6+s3], $0x80, v3, vm0, $0xb8;
	[tilespmem:$0x1E000] =	vst v63  }
0xb5: {  	s15 =	simm.s32 $0x19800  }
0xb6: {  	[tilespmem:s15], [sflag:$0x6] =	stream.indirect_vreg.gather [hbm4b:s7+s3], $0x80, v3, vm0, $0xb8;
	[tilespmem:$0x1E000] =	vst v63  }
0xb7: {  	v3 =	vld [tilespmem:$0x300];
	_ =	sdelay $0x4  }
0xb8: {  	v63 =	vshll.u32 v3, $0x3  }
0xb9: {  	v3 =	vand.u32 $0x7, v3;
	v4 =	vand.u32 $0xFFFFFFC0, v63  }
0xba: {  	v3 =	vor.u32 v3, v4  }
0xbb: {  	v4 =	vperm.xlane v3, v0;
	_ =	sdelay $0x1  }
0xbc: {  	v4 =	vadd.s32 v1, v4;
	_ =	sdelay $0x4  }
0xbd: {  	[tilespmem:s23], [sflag:$0x7] =	stream.indirect_vreg.gather [hbm4b:s2+s3], $0x80, v4, vm0, $0xb8;
	[tilespmem:$0x1E000] =	vst v63  }
0xbe: {  	s30 =	simm.s32 $0x1A800;
	v3 =	vperm.xlane v3, v2  }
0xbf: {  	[tilespmem:s30], [sflag:$0x7] =	stream.indirect_vreg.gather [hbm4b:s5+s3], $0x80, v4, vm0, $0xb8;
	[tilespmem:$0x1E000] =	vst v63  }
0xc0: {  	s14 =	simm.s32 $0x1B000;
	v3 =	vadd.s32 v1, v3  }
0xc1: {  	[tilespmem:s14], [sflag:$0x7] =	stream.indirect_vreg.gather [hbm4b:s6+s3], $0x80, v4, vm0, $0xb8;
	[tilespmem:$0x1E000] =	vst v63  }
0xc2: {  	s15 =	simm.s32 $0x1B800  }
0xc3: {  	[tilespmem:s15], [sflag:$0x7] =	stream.indirect_vreg.gather [hbm4b:s7+s3], $0x80, v4, vm0, $0xb8;
	[tilespmem:$0x1E000] =	vst v63  }
0xc4: {  	s30 =	simm.s32 $0x1C000  }
0xc5: {  	[tilespmem:s30], [sflag:$0x7] =	stream.indirect_vreg.gather [hbm4b:s2+s3], $0x80, v3, vm0, $0xb8;
	[tilespmem:$0x1E000] =	vst v63  }
0xc6: {  	s14 =	simm.s32 $0x1C800  }
0xc7: {  	[tilespmem:s14], [sflag:$0x7] =	stream.indirect_vreg.gather [hbm4b:s5+s3], $0x80, v3, vm0, $0xb8;
	[tilespmem:$0x1E000] =	vst v63  }
0xc8: {  	s15 =	simm.s32 $0x1D000  }
0xc9: {  	[tilespmem:s15], [sflag:$0x7] =	stream.indirect_vreg.gather [hbm4b:s6+s3], $0x80, v3, vm0, $0xb8;
	[tilespmem:$0x1E000] =	vst v63  }
0xca: {  	s13 =	simm.s32 $0x680;
	s30 =	simm.s32 $0x1D800;
	s14 =	simm.s32 $0x0  }
0xcb: {  	[tilespmem:s30], [sflag:$0x7] =	stream.indirect_vreg.gather [hbm4b:s7+s3], $0x80, v3, vm0, $0xb8;
	[tilespmem:$0x1E000] =	vst v63  }
.LBB2_2:
0xcc: {  	_ =	swait.ge [sflag:s16], $0x4000  }
0xcd: {  	[sflag:s16] =	ssyncset.done $0x0  }
0xce: {  	s15 =	sadd.s32 s14, s10;
	[sflag:s16] =	ssyncadd.s32 $0xFFFFC000  }
0xcf: {  	[hbm4b:s15+s3] =	stream.linear.scatter [tilespmem:s12], [sflag:$0x8], $0x4000, $0x38;
	[tilespmem:$0x1E000] =	vst v63  }
0xd0: {  	_ =	swait.ge [sflag:s31], $0x4000  }
0xd1: {  	[sflag:s31] =	ssyncset.done $0x0  }
0xd2: {  	s30 =	sadd.s32 $0x800, s15;
	[sflag:s31] =	ssyncadd.s32 $0xFFFFC000  }
0xd3: {  	[hbm4b:s30+s3] =	stream.linear.scatter [tilespmem:s20], [sflag:$0x9], $0x4000, $0x38;
	[tilespmem:$0x1E000] =	vst v63  }
0xd4: {  	_ =	swait.ge [sflag:s17], $0x4000  }
0xd5: {  	[sflag:s17] =	ssyncset.done $0x0  }
0xd6: {  	s30 =	sadd.s32 $0x1000, s15;
	[sflag:s17] =	ssyncadd.s32 $0xFFFFC000  }
0xd7: {  	[hbm4b:s30+s3] =	stream.linear.scatter [tilespmem:s29], [sflag:$0xA], $0x4000, $0x38;
	[tilespmem:$0x1E000] =	vst v63  }
0xd8: {  	_ =	swait.ge [sflag:s0], $0x4000  }
0xd9: {  	[sflag:s0] =	ssyncset.done $0x0  }
0xda: {  	s30 =	sadd.s32 $0x1800, s15;
	[sflag:s0] =	ssyncadd.s32 $0xFFFFC000  }
0xdb: {  	[hbm4b:s30+s3] =	stream.linear.scatter [tilespmem:s11], [sflag:$0xB], $0x4000, $0x38;
	[tilespmem:$0x1E000] =	vst v63  }
0xdc: {  	_ =	swait.ge [sflag:s1], $0x4000  }
0xdd: {  	[sflag:s1] =	ssyncset.done $0x0  }
0xde: {  	s30 =	sadd.s32 $0x2000, s15;
	[sflag:s1] =	ssyncadd.s32 $0xFFFFC000  }
0xdf: {  	[hbm4b:s30+s3] =	stream.linear.scatter [tilespmem:s28], [sflag:$0xC], $0x4000, $0x38;
	[tilespmem:$0x1E000] =	vst v63  }
0xe0: {  	_ =	swait.ge [sflag:s19], $0x4000  }
0xe1: {  	[sflag:s19] =	ssyncset.done $0x0  }
0xe2: {  	s30 =	sadd.s32 $0x2800, s15;
	[sflag:s19] =	ssyncadd.s32 $0xFFFFC000  }
0xe3: {  	[hbm4b:s30+s3] =	stream.linear.scatter [tilespmem:s18], [sflag:$0xD], $0x4000, $0x38;
	[tilespmem:$0x1E000] =	vst v63  }
0xe4: {  	_ =	swait.ge [sflag:s4], $0x4000  }
0xe5: {  	[sflag:s4] =	ssyncset.done $0x0  }
0xe6: {  	s15 =	sadd.s32 $0x3000, s15;
	[sflag:s4] =	ssyncadd.s32 $0xFFFFC000  }
0xe7: {  	[hbm4b:s15+s3] =	stream.linear.scatter [tilespmem:s23], [sflag:$0xE], $0x4000, $0x38;
	[tilespmem:$0x1E000] =	vst v63  }
0xe8: {  	_ =	swait.ge [sflag:s8], $0x4000  }
0xe9: {  	[sflag:s8] =	ssyncset.done $0x0  }
0xea: {  	[sflag:s8] =	ssyncadd.s32 $0xFFFFC000  }
0xeb: {  	v3 =	vld [tilespmem:s13+$0xFFFFFD00];
	_ =	sdelay $0x4  }
0xec: {  	v4 =	vshll.u32 v3, $0x3  }
0xed: {  	v3 =	vand.u32 $0x7, v3;
	v4 =	vand.u32 $0xFFFFFFC0, v4  }
0xee: {  	v3 =	vor.u32 v3, v4  }
0xef: {  	v4 =	vperm.xlane v3, v0;
	_ =	sdelay $0x1  }
0xf0: {  	v4 =	vadd.s32 v1, v4;
	_ =	sdelay $0x4  }
0xf1: {  	[tilespmem:s12], [sflag:$0x1] =	stream.indirect_vreg.gather [hbm4b:s2+s3], $0x80, v4, vm0, $0xb8;
	[tilespmem:$0x1E000] =	vst v63  }
0xf2: {  	s30 =	simm.s32 $0x2800;
	v3 =	vperm.xlane v3, v2  }
0xf3: {  	[tilespmem:s30], [sflag:$0x1] =	stream.indirect_vreg.gather [hbm4b:s5+s3], $0x80, v4, vm0, $0xb8;
	[tilespmem:$0x1E000] =	vst v63  }
0xf4: {  	v3 =	vadd.s32 v1, v3;
	s30 =	simm.s32 $0x3000  }
0xf5: {  	[tilespmem:s30], [sflag:$0x1] =	stream.indirect_vreg.gather [hbm4b:s6+s3], $0x80, v4, vm0, $0xb8;
	[tilespmem:$0x1E000] =	vst v63  }
0xf6: {  	s30 =	simm.s32 $0x3800  }
0xf7: {  	[tilespmem:s30], [sflag:$0x1] =	stream.indirect_vreg.gather [hbm4b:s7+s3], $0x80, v4, vm0, $0xb8;
	[tilespmem:$0x1E000] =	vst v63  }
0xf8: {  	s30 =	simm.s32 $0x4000  }
0xf9: {  	[tilespmem:s30], [sflag:$0x1] =	stream.indirect_vreg.gather [hbm4b:s2+s3], $0x80, v3, vm0, $0xb8;
	[tilespmem:$0x1E000] =	vst v63  }
0xfa: {  	p0 =	seq.s32 s14, $0x1C000;
	s30 =	simm.s32 $0x4800  }
0xfb: {  	[tilespmem:s30], [sflag:$0x1] =	stream.indirect_vreg.gather [hbm4b:s5+s3], $0x80, v3, vm0, $0xb8;
	[tilespmem:$0x1E000] =	vst v63  }
.Ltmp2:
0xfc: {  	_ = 	snop;
	(pc) =	sbr.rel @p0 .LBB2_4-.Ltmp2, $4  }
0xfd: {  	s30 =	simm.s32 $0x5000  }
0xfe: {  	[tilespmem:s30], [sflag:$0x1] =	stream.indirect_vreg.gather [hbm4b:s6+s3], $0x80, v3, vm0, $0xb8;
	[tilespmem:$0x1E000] =	vst v63  }
0xff: {  	s30 =	simm.s32 $0x5800  }
0x100: {  	[tilespmem:s30], [sflag:$0x1] =	stream.indirect_vreg.gather [hbm4b:s7+s3], $0x80, v3, vm0, $0xb8;
	[tilespmem:$0x1E000] =	vst v63  }
0x101: {  	_ =	swait.ge [sflag:s9], $0x4000  }
0x102: {  	[sflag:s9] =	ssyncset.done $0x0  }
0x103: {  	[sflag:s9] =	ssyncadd.s32 $0xFFFFC000  }
0x104: {  	v3 =	vld [tilespmem:s13+$0xFFFFFD80];
	_ =	sdelay $0x4  }
0x105: {  	v4 =	vshll.u32 v3, $0x3  }
0x106: {  	v3 =	vand.u32 $0x7, v3;
	v4 =	vand.u32 $0xFFFFFFC0, v4  }
0x107: {  	v3 =	vor.u32 v3, v4  }
0x108: {  	v4 =	vperm.xlane v3, v0;
	_ =	sdelay $0x1  }
0x109: {  	v4 =	vadd.s32 v1, v4;
	_ =	sdelay $0x4  }
0x10a: {  	[tilespmem:s20], [sflag:$0x2] =	stream.indirect_vreg.gather [hbm4b:s2+s3], $0x80, v4, vm0, $0xb8;
	[tilespmem:$0x1E000] =	vst v63  }
0x10b: {  	s15 =	simm.s32 $0x6800;
	v3 =	vperm.xlane v3, v2  }
0x10c: {  	[tilespmem:s15], [sflag:$0x2] =	stream.indirect_vreg.gather [hbm4b:s5+s3], $0x80, v4, vm0, $0xb8;
	[tilespmem:$0x1E000] =	vst v63  }
0x10d: {  	s30 =	simm.s32 $0x7000;
	v3 =	vadd.s32 v1, v3  }
0x10e: {  	[tilespmem:s30], [sflag:$0x2] =	stream.indirect_vreg.gather [hbm4b:s6+s3], $0x80, v4, vm0, $0xb8;
	[tilespmem:$0x1E000] =	vst v63  }
0x10f: {  	s30 =	simm.s32 $0x7800  }
0x110: {  	[tilespmem:s30], [sflag:$0x2] =	stream.indirect_vreg.gather [hbm4b:s7+s3], $0x80, v4, vm0, $0xb8;
	[tilespmem:$0x1E000] =	vst v63  }
0x111: {  	s30 =	simm.s32 $0x8000  }
0x112: {  	[tilespmem:s30], [sflag:$0x2] =	stream.indirect_vreg.gather [hbm4b:s2+s3], $0x80, v3, vm0, $0xb8;
	[tilespmem:$0x1E000] =	vst v63  }
0x113: {  	s30 =	simm.s32 $0x8800  }
0x114: {  	[tilespmem:s30], [sflag:$0x2] =	stream.indirect_vreg.gather [hbm4b:s5+s3], $0x80, v3, vm0, $0xb8;
	[tilespmem:$0x1E000] =	vst v63  }
0x115: {  	s30 =	simm.s32 $0x9000  }
0x116: {  	[tilespmem:s30], [sflag:$0x2] =	stream.indirect_vreg.gather [hbm4b:s6+s3], $0x80, v3, vm0, $0xb8;
	[tilespmem:$0x1E000] =	vst v63  }
0x117: {  	s30 =	simm.s32 $0x9800  }
0x118: {  	[tilespmem:s30], [sflag:$0x2] =	stream.indirect_vreg.gather [hbm4b:s7+s3], $0x80, v3, vm0, $0xb8;
	[tilespmem:$0x1E000] =	vst v63  }
0x119: {  	_ =	swait.ge [sflag:s21], $0x4000  }
0x11a: {  	[sflag:s21] =	ssyncset.done $0x0  }
0x11b: {  	[sflag:s21] =	ssyncadd.s32 $0xFFFFC000  }
0x11c: {  	v3 =	vld [tilespmem:s13+$0xFFFFFE00];
	_ =	sdelay $0x4  }
0x11d: {  	v59 =	vshll.u32 v3, $0x3  }
0x11e: {  	v3 =	vand.u32 $0x7, v3;
	v4 =	vand.u32 $0xFFFFFFC0, v59  }
0x11f: {  	v3 =	vor.u32 v3, v4  }
0x120: {  	v4 =	vperm.xlane v3, v0;
	_ =	sdelay $0x1  }
0x121: {  	v4 =	vadd.s32 v1, v4;
	_ =	sdelay $0x4  }
0x122: {  	[tilespmem:s29], [sflag:$0x3] =	stream.indirect_vreg.gather [hbm4b:s2+s3], $0x80, v4, vm0, $0xb8;
	[tilespmem:$0x1E000] =	vst v63  }
0x123: {  	s30 =	simm.s32 $0xA800;
	v3 =	vperm.xlane v3, v2  }
0x124: {  	[tilespmem:s30], [sflag:$0x3] =	stream.indirect_vreg.gather [hbm4b:s5+s3], $0x80, v4, vm0, $0xb8;
	[tilespmem:$0x1E000] =	vst v63  }
0x125: {  	v3 =	vadd.s32 v1, v3;
	s30 =	simm.s32 $0xB000  }
0x126: {  	[tilespmem:s30], [sflag:$0x3] =	stream.indirect_vreg.gather [hbm4b:s6+s3], $0x80, v4, vm0, $0xb8;
	[tilespmem:$0x1E000] =	vst v63  }
0x127: {  	s30 =	simm.s32 $0xB800  }
0x128: {  	[tilespmem:s30], [sflag:$0x3] =	stream.indirect_vreg.gather [hbm4b:s7+s3], $0x80, v4, vm0, $0xb8;
	[tilespmem:$0x1E000] =	vst v63  }
0x129: {  	s30 =	simm.s32 $0xC000  }
0x12a: {  	[tilespmem:s30], [sflag:$0x3] =	stream.indirect_vreg.gather [hbm4b:s2+s3], $0x80, v3, vm0, $0xb8;
	[tilespmem:$0x1E000] =	vst v63  }
0x12b: {  	s30 =	simm.s32 $0xC800  }
0x12c: {  	[tilespmem:s30], [sflag:$0x3] =	stream.indirect_vreg.gather [hbm4b:s5+s3], $0x80, v3, vm0, $0xb8;
	[tilespmem:$0x1E000] =	vst v63  }
0x12d: {  	s30 =	simm.s32 $0xD000  }
0x12e: {  	[tilespmem:s30], [sflag:$0x3] =	stream.indirect_vreg.gather [hbm4b:s6+s3], $0x80, v3, vm0, $0xb8;
	[tilespmem:$0x1E000] =	vst v63  }
0x12f: {  	s30 =	simm.s32 $0xD800  }
0x130: {  	[tilespmem:s30], [sflag:$0x3] =	stream.indirect_vreg.gather [hbm4b:s7+s3], $0x80, v3, vm0, $0xb8;
	[tilespmem:$0x1E000] =	vst v63  }
0x131: {  	_ =	swait.ge [sflag:s22], $0x4000  }
0x132: {  	[sflag:s22] =	ssyncset.done $0x0  }
0x133: {  	[sflag:s22] =	ssyncadd.s32 $0xFFFFC000  }
0x134: {  	v3 =	vld [tilespmem:s13+$0xFFFFFE80];
	_ =	sdelay $0x4  }
0x135: {  	v60 =	vshll.u32 v3, $0x3  }
0x136: {  	v3 =	vand.u32 $0x7, v3;
	v4 =	vand.u32 $0xFFFFFFC0, v60  }
0x137: {  	v3 =	vor.u32 v3, v4  }
0x138: {  	v4 =	vperm.xlane v3, v0;
	_ =	sdelay $0x1  }
0x139: {  	v4 =	vadd.s32 v1, v4;
	_ =	sdelay $0x4  }
0x13a: {  	[tilespmem:s11], [sflag:$0x4] =	stream.indirect_vreg.gather [hbm4b:s2+s3], $0x80, v4, vm0, $0xb8;
	[tilespmem:$0x1E000] =	vst v63  }
0x13b: {  	s30 =	simm.s32 $0xE800;
	v3 =	vperm.xlane v3, v2  }
0x13c: {  	[tilespmem:s30], [sflag:$0x4] =	stream.indirect_vreg.gather [hbm4b:s5+s3], $0x80, v4, vm0, $0xb8;
	[tilespmem:$0x1E000] =	vst v63  }
0x13d: {  	v3 =	vadd.s32 v1, v3;
	s30 =	simm.s32 $0xF000  }
0x13e: {  	[tilespmem:s30], [sflag:$0x4] =	stream.indirect_vreg.gather [hbm4b:s6+s3], $0x80, v4, vm0, $0xb8;
	[tilespmem:$0x1E000] =	vst v63  }
0x13f: {  	s30 =	simm.s32 $0xF800  }
0x140: {  	[tilespmem:s30], [sflag:$0x4] =	stream.indirect_vreg.gather [hbm4b:s7+s3], $0x80, v4, vm0, $0xb8;
	[tilespmem:$0x1E000] =	vst v63  }
0x141: {  	s30 =	simm.s32 $0x10000  }
0x142: {  	[tilespmem:s30], [sflag:$0x4] =	stream.indirect_vreg.gather [hbm4b:s2+s3], $0x80, v3, vm0, $0xb8;
	[tilespmem:$0x1E000] =	vst v63  }
0x143: {  	s30 =	simm.s32 $0x10800  }
0x144: {  	[tilespmem:s30], [sflag:$0x4] =	stream.indirect_vreg.gather [hbm4b:s5+s3], $0x80, v3, vm0, $0xb8;
	[tilespmem:$0x1E000] =	vst v63  }
0x145: {  	s30 =	simm.s32 $0x11000  }
0x146: {  	[tilespmem:s30], [sflag:$0x4] =	stream.indirect_vreg.gather [hbm4b:s6+s3], $0x80, v3, vm0, $0xb8;
	[tilespmem:$0x1E000] =	vst v63  }
0x147: {  	s30 =	simm.s32 $0x11800  }
0x148: {  	[tilespmem:s30], [sflag:$0x4] =	stream.indirect_vreg.gather [hbm4b:s7+s3], $0x80, v3, vm0, $0xb8;
	[tilespmem:$0x1E000] =	vst v63  }
0x149: {  	_ =	swait.ge [sflag:s24], $0x4000  }
0x14a: {  	[sflag:s24] =	ssyncset.done $0x0  }
0x14b: {  	[sflag:s24] =	ssyncadd.s32 $0xFFFFC000  }
0x14c: {  	v3 =	vld [tilespmem:s13+$0xFFFFFF00];
	_ =	sdelay $0x4  }
0x14d: {  	v61 =	vshll.u32 v3, $0x3  }
0x14e: {  	v3 =	vand.u32 $0x7, v3;
	v4 =	vand.u32 $0xFFFFFFC0, v61  }
0x14f: {  	v3 =	vor.u32 v3, v4  }
0x150: {  	v4 =	vperm.xlane v3, v0;
	_ =	sdelay $0x1  }
0x151: {  	v4 =	vadd.s32 v1, v4;
	_ =	sdelay $0x4  }
0x152: {  	[tilespmem:s28], [sflag:$0x5] =	stream.indirect_vreg.gather [hbm4b:s2+s3], $0x80, v4, vm0, $0xb8;
	[tilespmem:$0x1E000] =	vst v63  }
0x153: {  	s30 =	simm.s32 $0x12800;
	v3 =	vperm.xlane v3, v2  }
0x154: {  	[tilespmem:s30], [sflag:$0x5] =	stream.indirect_vreg.gather [hbm4b:s5+s3], $0x80, v4, vm0, $0xb8;
	[tilespmem:$0x1E000] =	vst v63  }
0x155: {  	v3 =	vadd.s32 v1, v3;
	s30 =	simm.s32 $0x13000  }
0x156: {  	[tilespmem:s30], [sflag:$0x5] =	stream.indirect_vreg.gather [hbm4b:s6+s3], $0x80, v4, vm0, $0xb8;
	[tilespmem:$0x1E000] =	vst v63  }
0x157: {  	s30 =	simm.s32 $0x13800  }
0x158: {  	[tilespmem:s30], [sflag:$0x5] =	stream.indirect_vreg.gather [hbm4b:s7+s3], $0x80, v4, vm0, $0xb8;
	[tilespmem:$0x1E000] =	vst v63  }
0x159: {  	s30 =	simm.s32 $0x14000  }
0x15a: {  	[tilespmem:s30], [sflag:$0x5] =	stream.indirect_vreg.gather [hbm4b:s2+s3], $0x80, v3, vm0, $0xb8;
	[tilespmem:$0x1E000] =	vst v63  }
0x15b: {  	s30 =	simm.s32 $0x14800  }
0x15c: {  	[tilespmem:s30], [sflag:$0x5] =	stream.indirect_vreg.gather [hbm4b:s5+s3], $0x80, v3, vm0, $0xb8;
	[tilespmem:$0x1E000] =	vst v63  }
0x15d: {  	s30 =	simm.s32 $0x15000  }
0x15e: {  	[tilespmem:s30], [sflag:$0x5] =	stream.indirect_vreg.gather [hbm4b:s6+s3], $0x80, v3, vm0, $0xb8;
	[tilespmem:$0x1E000] =	vst v63  }
0x15f: {  	s30 =	simm.s32 $0x15800  }
0x160: {  	[tilespmem:s30], [sflag:$0x5] =	stream.indirect_vreg.gather [hbm4b:s7+s3], $0x80, v3, vm0, $0xb8;
	[tilespmem:$0x1E000] =	vst v63  }
0x161: {  	_ =	swait.ge [sflag:s25], $0x4000  }
0x162: {  	[sflag:s25] =	ssyncset.done $0x0  }
0x163: {  	[sflag:s25] =	ssyncadd.s32 $0xFFFFC000  }
0x164: {  	v3 =	vld [tilespmem:s13+$0xFFFFFF80];
	_ =	sdelay $0x4  }
0x165: {  	v62 =	vshll.u32 v3, $0x3  }
0x166: {  	v3 =	vand.u32 $0x7, v3;
	v4 =	vand.u32 $0xFFFFFFC0, v62  }
0x167: {  	v3 =	vor.u32 v3, v4  }
0x168: {  	v4 =	vperm.xlane v3, v0;
	_ =	sdelay $0x1  }
0x169: {  	v4 =	vadd.s32 v1, v4;
	_ =	sdelay $0x4  }
0x16a: {  	[tilespmem:s18], [sflag:$0x6] =	stream.indirect_vreg.gather [hbm4b:s2+s3], $0x80, v4, vm0, $0xb8;
	[tilespmem:$0x1E000] =	vst v63  }
0x16b: {  	s30 =	simm.s32 $0x16800;
	v3 =	vperm.xlane v3, v2  }
0x16c: {  	[tilespmem:s30], [sflag:$0x6] =	stream.indirect_vreg.gather [hbm4b:s5+s3], $0x80, v4, vm0, $0xb8;
	[tilespmem:$0x1E000] =	vst v63  }
0x16d: {  	v3 =	vadd.s32 v1, v3;
	s30 =	simm.s32 $0x17000  }
0x16e: {  	[tilespmem:s30], [sflag:$0x6] =	stream.indirect_vreg.gather [hbm4b:s6+s3], $0x80, v4, vm0, $0xb8;
	[tilespmem:$0x1E000] =	vst v63  }
0x16f: {  	s30 =	simm.s32 $0x17800  }
0x170: {  	[tilespmem:s30], [sflag:$0x6] =	stream.indirect_vreg.gather [hbm4b:s7+s3], $0x80, v4, vm0, $0xb8;
	[tilespmem:$0x1E000] =	vst v63  }
0x171: {  	s30 =	simm.s32 $0x18000  }
0x172: {  	[tilespmem:s30], [sflag:$0x6] =	stream.indirect_vreg.gather [hbm4b:s2+s3], $0x80, v3, vm0, $0xb8;
	[tilespmem:$0x1E000] =	vst v63  }
0x173: {  	s30 =	simm.s32 $0x18800  }
0x174: {  	[tilespmem:s30], [sflag:$0x6] =	stream.indirect_vreg.gather [hbm4b:s5+s3], $0x80, v3, vm0, $0xb8;
	[tilespmem:$0x1E000] =	vst v63  }
0x175: {  	s30 =	simm.s32 $0x19000  }
0x176: {  	[tilespmem:s30], [sflag:$0x6] =	stream.indirect_vreg.gather [hbm4b:s6+s3], $0x80, v3, vm0, $0xb8;
	[tilespmem:$0x1E000] =	vst v63  }
0x177: {  	s30 =	simm.s32 $0x19800  }
0x178: {  	[tilespmem:s30], [sflag:$0x6] =	stream.indirect_vreg.gather [hbm4b:s7+s3], $0x80, v3, vm0, $0xb8;
	[tilespmem:$0x1E000] =	vst v63  }
0x179: {  	_ =	swait.ge [sflag:s26], $0x4000  }
0x17a: {  	[sflag:s26] =	ssyncset.done $0x0  }
0x17b: {  	[sflag:s26] =	ssyncadd.s32 $0xFFFFC000  }
0x17c: {  	v3 =	vld [tilespmem:s13+$0x0];
	_ =	sdelay $0x4  }
0x17d: {  	v63 =	vshll.u32 v3, $0x3  }
0x17e: {  	v3 =	vand.u32 $0x7, v3;
	v4 =	vand.u32 $0xFFFFFFC0, v63  }
0x17f: {  	v3 =	vor.u32 v3, v4  }
0x180: {  	v4 =	vperm.xlane v3, v0;
	_ =	sdelay $0x1  }
0x181: {  	v4 =	vadd.s32 v1, v4;
	_ =	sdelay $0x4  }
0x182: {  	[tilespmem:s23], [sflag:$0x7] =	stream.indirect_vreg.gather [hbm4b:s2+s3], $0x80, v4, vm0, $0xb8;
	[tilespmem:$0x1E000] =	vst v63  }
0x183: {  	s30 =	simm.s32 $0x1A800;
	v3 =	vperm.xlane v3, v2  }
0x184: {  	[tilespmem:s30], [sflag:$0x7] =	stream.indirect_vreg.gather [hbm4b:s5+s3], $0x80, v4, vm0, $0xb8;
	[tilespmem:$0x1E000] =	vst v63  }
0x185: {  	v3 =	vadd.s32 v1, v3;
	s30 =	simm.s32 $0x1B000  }
0x186: {  	[tilespmem:s30], [sflag:$0x7] =	stream.indirect_vreg.gather [hbm4b:s6+s3], $0x80, v4, vm0, $0xb8;
	[tilespmem:$0x1E000] =	vst v63  }
0x187: {  	s30 =	simm.s32 $0x1B800  }
0x188: {  	[tilespmem:s30], [sflag:$0x7] =	stream.indirect_vreg.gather [hbm4b:s7+s3], $0x80, v4, vm0, $0xb8;
	[tilespmem:$0x1E000] =	vst v63  }
0x189: {  	s30 =	simm.s32 $0x1C000  }
0x18a: {  	[tilespmem:s30], [sflag:$0x7] =	stream.indirect_vreg.gather [hbm4b:s2+s3], $0x80, v3, vm0, $0xb8;
	[tilespmem:$0x1E000] =	vst v63  }
0x18b: {  	s30 =	simm.s32 $0x1C800  }
0x18c: {  	[tilespmem:s30], [sflag:$0x7] =	stream.indirect_vreg.gather [hbm4b:s5+s3], $0x80, v3, vm0, $0xb8;
	[tilespmem:$0x1E000] =	vst v63  }
.Ltmp3:
0x18d: {  	_ = 	snop;
	(pc) =	sbr.rel .LBB2_2-.Ltmp3, $4  }
0x18e: {  	s30 =	simm.s32 $0x1D000  }
0x18f: {  	[tilespmem:s30], [sflag:$0x7] =	stream.indirect_vreg.gather [hbm4b:s6+s3], $0x80, v3, vm0, $0xb8;
	[tilespmem:$0x1E000] =	vst v63  }
0x190: {  	s14 =	sadd.s32 $0x3800, s14;
	s13 =	sadd.s32 $0x380, s13;
	s30 =	simm.s32 $0x1D800  }
0x191: {  	[tilespmem:s30], [sflag:$0x7] =	stream.indirect_vreg.gather [hbm4b:s7+s3], $0x80, v3, vm0, $0xb8;
	[tilespmem:$0x1E000] =	vst v63  }
.LBB2_5:
0x192: {  	_ =	sfence.sel $0x180000  }
0x193: {  	[bflag:$0x0] =	sbarrier.arrive $0xFFFF  }
0x194: {  	_ =	strace $0x90000047  }
0x195: {  	s0 =	stileid.u32;
	[bflag:$0x2] =	sbarrier.arrive $0xFFFF  }
0x196: {  	p0 =	sne.s32 s0, $0x0;
	s0 =	rddreg [dreg:$0x3]  }
0x197: {  	s0 =	sadd.s32 @!p0 $0x100000, s0  }
0x198: {  	[sflag:s0] =	ssyncadd.tile.s32 @!p0 $0x1;
	_ =	shalt  }
.Lfunc_end2:
_tile_overlayer_lowered:
.L_overlay_start_2:
0x199: {  	(tag) =	ssettag $0x2  }
0x19a: {  	s0 =	rddreg [dreg:$0x0];
	s2 =	stileid.u32  }
0x19b: {  	s1 =	rddreg [dreg:$0x1];
	p0 =	sne.s32 s2, $0x0  }
0x19c: {  	s3 =	rddreg [dreg:$0x2];
	[bflag:$0x3] =	sbarrier.arrive $0xFFFF;
	s2 =	simm.s32 @!p0 $0x1C0F  }
0x19d: {  	[timem:s3], [sflag:s2] =	dma.local @!p0 [hbm:s0], s1  }
0x19e: {  	s0 =	simm.s32 @!p0 $0xF  }
0x19f: {  	_ =	swait.ge @!p0 [sflag:s0], s1  }
0x1a0: {  	s1 =	ssub.s32 @!p0 $0x0, s1;
	[sflag:s0] =	ssyncset.done @!p0 $0x0  }
0x1a1: {  	[sflag:s0] =	ssyncadd.s32 @!p0 s1  }
0x1a2: {  	[bflag:$0x3] =	sbarrier.arrive $0xFFFF  }
0x1a3: {  	_ =	shalt  }

</sc_bundles>
